<compile_context>
chip_gen: v7x
topology: tpu7x:2x2x1
jax: 0.10.2.dev20260603
libtpu: 0.0.44.dev20260713+nightly
codegen_flags: <defaults>
</compile_context>

<pallas_src>
import numpy as np
import jax
import jax.numpy as jnp
from jax import lax
from jax.experimental import pallas as pl
from jax.experimental.pallas import tpu as pltpu

L = 200
N_CAT = 26
N_CONT = 13
VOCAB = 100000
_ROT_A = (13, 15, 26, 6)
_ROT_B = (17, 29, 16, 24)


def _tf_host(k1, k2, x0, x1):
    M = 0xFFFFFFFF

    def rotl(v, r):
        return ((v << r) | (v >> (32 - r))) & M

    ks = (k1, k2, (k1 ^ k2 ^ 0x1BD11BDA) & M)
    x0 = (x0 + ks[0]) & M
    x1 = (x1 + ks[1]) & M
    for i in range(5):
        for r in (_ROT_A if i % 2 == 0 else _ROT_B):
            x0 = (x0 + x1) & M
            x1 = rotl(x1, r)
            x1 ^= x0
        x0 = (x0 + ks[(i + 1) % 3]) & M
        x1 = (x1 + ks[(i + 2) % 3] + i + 1) & M
    return x0, x1


_SUBS = [_tf_host(0, 42, 0, i) for i in range(5)]
_K_KEEP, _K_SUB, _K_MASK, _K_GAU, _K_SHUF = _SUBS
_K_RAND = _tf_host(_K_SUB[0], _K_SUB[1], 0, 1)


def _i32c(v):
    return jnp.int32(np.uint32(v).astype(np.int32))


def _rotl_v(x, r):
    return lax.shift_left(x, jnp.int32(r)) | lax.shift_right_logical(
        x, jnp.int32(32 - r))


def _tf_bits(key, x1):
    k1, k2 = key
    ks = (_i32c(k1), _i32c(k2), _i32c((k1 ^ k2 ^ 0x1BD11BDA) & 0xFFFFFFFF))
    x0 = jnp.full(x1.shape, ks[0], dtype=jnp.int32)
    x1 = x1 + ks[1]
    for i in range(5):
        for r in (_ROT_A if i % 2 == 0 else _ROT_B):
            x0 = x0 + x1
            x1 = _rotl_v(x1, r)
            x1 = x1 ^ x0
        x0 = x0 + ks[(i + 1) % 3]
        x1 = x1 + (ks[(i + 2) % 3] + jnp.int32(i + 1))
    return x0 ^ x1


def _bits_to_unit_f32(bits):
    m = lax.shift_right_logical(bits, jnp.int32(9)) | _i32c(0x3F800000)
    return lax.bitcast_convert_type(m, jnp.float32) - jnp.float32(1.0)


def _umod_vocab(bits):
    xf = bits.astype(jnp.float32) + jnp.where(
        bits < 0, jnp.float32(4294967296.0), jnp.float32(0.0))
    q = (xf * jnp.float32(1.0 / VOCAB)).astype(jnp.int32)
    r = bits - q * jnp.int32(VOCAB)
    r = r + jnp.where(r < 0, jnp.int32(VOCAB), jnp.int32(0))
    r = r - jnp.where(r >= VOCAB, jnp.int32(VOCAB), jnp.int32(0))
    return r


def _erfinv_f32(u):
    w = -jnp.log1p(-u * u)
    lt = w < jnp.float32(5.0)
    w1 = w - jnp.float32(2.5)
    w2 = jnp.sqrt(jnp.maximum(w, jnp.float32(5.0))) - jnp.float32(3.0)
    c1 = (2.81022636e-08, 3.43273939e-07, -3.5233877e-06, -4.39150654e-06,
          0.00021858087, -0.00125372503, -0.00417768164, 0.246640727,
          1.50140941)
    c2 = (-0.000200214257, 0.000100950558, 0.00134934322, -0.00367342844,
          0.00573950773, -0.0076224613, 0.00943887047, 1.00167406,
          2.83297682)
    p1 = jnp.float32(c1[0])
    for c in c1[1:]:
        p1 = p1 * w1 + jnp.float32(c)
    p2 = jnp.float32(c2[0])
    for c in c2[1:]:
        p2 = p2 * w2 + jnp.float32(c)
    return jnp.where(lt, p1, p2) * u


_M_GT = 0x0CCCCC
_M_LT = 0x0CCCCD


def _noise_kernel(cat_ref, cont_ref, cat_out_ref, cont_out_ref, e26_ref,
                  e13_ref, ic_ref, if_ref, il_ref):
    rblk = cat_ref.shape[0]
    wc = L * N_CAT
    wf = L * N_CONT
    row0 = pl.program_id(0) * rblk

    @pl.when(pl.program_id(0) == 0)
    def _():
        for rep, width, ref in ((N_CAT, wc, e26_ref), (N_CONT, wf, e13_ref)):
            lv = lax.broadcasted_iota(jnp.int32, (L, width), 0)
            jv = lax.broadcasted_iota(jnp.int32, (L, width), 1)
            t = jv - jnp.int32(rep) * lv
            one = (t >= 0) & (t < rep)
            ref[...] = one.astype(jnp.bfloat16)
        for width, ref in ((wc, ic_ref), (wf, if_ref), (L, il_ref)):
            iv = lax.broadcasted_iota(jnp.int32, (rblk, width), 0)
            jv = lax.broadcasted_iota(jnp.int32, (rblk, width), 1)
            ref[...] = iv * jnp.int32(width) + jv

    idx_c = ic_ref[...] + row0 * jnp.int32(wc)
    keep_m = lax.shift_right_logical(_tf_bits(_K_KEEP, idx_c), jnp.int32(9))
    rand_tok = _umod_vocab(_tf_bits(_K_RAND, idx_c))
    cat = jnp.where(keep_m > jnp.int32(_M_GT), cat_ref[...], rand_tok)

    idx_f = if_ref[...] + row0 * jnp.int32(wf)
    gmask_m = lax.shift_right_logical(_tf_bits(_K_MASK, idx_f), jnp.int32(9))
    gmask = (gmask_m < jnp.int32(_M_LT)).astype(jnp.float32)
    gu = _bits_to_unit_f32(_tf_bits(_K_GAU, idx_f))
    lo = jnp.float32(np.nextafter(np.float32(-1.0), np.float32(0.0)))
    un = jnp.maximum(lo, gu * jnp.float32(2.0) + lo)
    z = jnp.float32(1.4142135381698608) * _erfinv_f32(un)
    cont = cont_ref[...] + z * gmask

    li = lax.broadcasted_iota(jnp.int32, (rblk, L), 1)
    inc_u = _bits_to_unit_f32(
        _tf_bits(_K_SHUF, il_ref[...] + row0 * jnp.int32(L)))
    keyv = li.astype(jnp.float32) + jnp.float32(2.0) * inc_u
    tn = (jnp.roll(keyv, -1, axis=1) < keyv) & (li < jnp.int32(L - 1))
    tp = (keyv < jnp.roll(keyv, 1, axis=1)) & (li > jnp.int32(0))
    tn_bf = tn.astype(jnp.bfloat16)
    tp_bf = tp.astype(jnp.bfloat16)
    dn = (((1,), (0,)), ((), ()))

    for rep, data, out_ref, e_ref in ((N_CAT, cat, cat_out_ref, e26_ref),
                                      (N_CONT, cont, cont_out_ref, e13_ref)):
        tn_w = lax.dot_general(tn_bf, e_ref[...], dn,
                               preferred_element_type=jnp.float32)
        tp_w = lax.dot_general(tp_bf, e_ref[...], dn,
                               preferred_element_type=jnp.float32)
        half = jnp.float32(0.5)
        shifted = jnp.where(tn_w > half, jnp.roll(data, -rep, axis=1),
                            jnp.roll(data, rep, axis=1))
        out_ref[...] = jnp.where((tn_w + tp_w) > half, shifted, data)


def kernel(seq_cat_data, seq_cont_data):
    b = seq_cat_data.shape[0]
    rblk = 64
    cat2 = seq_cat_data.reshape(b, L * N_CAT)
    cont2 = seq_cont_data.reshape(b, L * N_CONT)
    cat_o, cont_o = pl.pallas_call(
        _noise_kernel,
        grid=(b // rblk,),
        in_specs=[
            pl.BlockSpec((rblk, L * N_CAT), lambda i: (i, 0)),
            pl.BlockSpec((rblk, L * N_CONT), lambda i: (i, 0)),
        ],
        out_specs=[
            pl.BlockSpec((rblk, L * N_CAT), lambda i: (i, 0)),
            pl.BlockSpec((rblk, L * N_CONT), lambda i: (i, 0)),
        ],
        out_shape=[
            jax.ShapeDtypeStruct((b, L * N_CAT), seq_cat_data.dtype),
            jax.ShapeDtypeStruct((b, L * N_CONT), seq_cont_data.dtype),
        ],
        scratch_shapes=[
            pltpu.VMEM((L, L * N_CAT), jnp.bfloat16),
            pltpu.VMEM((L, L * N_CONT), jnp.bfloat16),
            pltpu.VMEM((rblk, L * N_CAT), jnp.int32),
            pltpu.VMEM((rblk, L * N_CONT), jnp.int32),
            pltpu.VMEM((rblk, L), jnp.int32),
        ],
        compiler_params=pltpu.CompilerParams(
            dimension_semantics=("arbitrary",)),
    )(cat2, cont2)
    return (cat_o.reshape(b, L, N_CAT), cont_o.reshape(b, L, N_CONT))

# --- scband reference (transcript-rebuilt; emitter-appended) ---
"""Pipeline reference for scband-noise-13477607375083 (READ-ONLY COPY).

The authoritative reference and input builder live on the scoring server;
editing this copy changes nothing except your own understanding.
"""

import jax, jax.numpy as jnp
import numpy as np

B, L, N_CAT, N_CONT = 4096, 200, 26, 13
VOCAB = 100000
GAU_PROB, SUB_PROB, SHUFFLE_DIST = 0.1, 0.1, 1


def setup_inputs(seed: int = 0) -> dict:
    key = jax.random.key(seed)
    k1, k2 = jax.random.split(key)
    seq_cat_data = jax.random.randint(k1, (B, L, N_CAT), 0, VOCAB, dtype=jnp.int32)
    seq_cont_data = jax.random.normal(k2, (B, L, N_CONT), dtype=jnp.float32)
    return {"seq_cat_data": seq_cat_data, "seq_cont_data": seq_cont_data}


def reference(seq_cat_data, seq_cont_data):
    key = jax.random.key(42)
    k_keep, k_sub, k_mask, k_gau, k_shuf = jax.random.split(key, 5)

    # _word_substitute: replace categorical tokens with random vocab ids w.p. sub_prob
    keep = jax.random.uniform(k_keep, seq_cat_data.shape) > SUB_PROB
    rand_cat = jax.random.randint(k_sub, seq_cat_data.shape, 0, VOCAB, dtype=seq_cat_data.dtype)
    cat = jnp.where(keep, seq_cat_data, rand_cat)

    # _word_gaussian: add unit gaussian noise to continuous features w.p. gau_prob
    gmask = (jax.random.uniform(k_mask, seq_cont_data.shape) < GAU_PROB).astype(jnp.float32)
    cont = seq_cont_data + jax.random.normal(k_gau, seq_cont_data.shape, dtype=jnp.float32) * gmask

    # _word_shuffle: bounded-distance shuffle along the sequence axis
    base = jnp.arange(L, dtype=jnp.float32)[None, :]
    inc = (SHUFFLE_DIST + 1) * jax.random.uniform(k_shuf, (B, L), dtype=jnp.float32)
    sigma = jnp.argsort(base + inc, axis=1)
    cat = jnp.take_along_axis(cat, sigma[:, :, None], axis=1)
    cont = jnp.take_along_axis(cont, sigma[:, :, None], axis=1)
    return (cat, cont)

if __name__ == "__main__":
    import jax
    _d = setup_inputs()
    print(jax.jit(kernel)(*tuple(_d.values())))

</pallas_src>

<mosaic_0001>
module attributes {stable_mosaic.version = 14 : i64} {
  func.func @_noise_kernel(%arg0: i32, %arg1: memref<64x5200xi32, #tpu.memory_space<vmem>>, %arg2: memref<64x2600xf32, #tpu.memory_space<vmem>>, %arg3: memref<64x5200xi32, #tpu.memory_space<vmem>>, %arg4: memref<64x2600xf32, #tpu.memory_space<vmem>>, %arg5: memref<200x5200xbf16, #tpu.memory_space<vmem>>, %arg6: memref<200x2600xbf16, #tpu.memory_space<vmem>>, %arg7: memref<64x5200xi32, #tpu.memory_space<vmem>>, %arg8: memref<64x2600xi32, #tpu.memory_space<vmem>>, %arg9: memref<64x200xi32, #tpu.memory_space<vmem>>) attributes {dimension_semantics = [#tpu.dimension_semantics<arbitrary>], iteration_bounds = array<i64: 64>, scalar_prefetch = 0 : i64, scratch_operands = 5 : i64, tpu.core_type = #tpu.core_type<tc>, window_params = [{transform_indices = @transform_0, window_bounds = array<i64: 64, 5200>}, {transform_indices = @transform_1, window_bounds = array<i64: 64, 2600>}, {transform_indices = @transform_2, window_bounds = array<i64: 64, 5200>}, {transform_indices = @transform_3, window_bounds = array<i64: 64, 2600>}]} {
    %mul3A = arith.constant 64 : i32
    %mul3A_0 = arith.muli %arg0, %mul3A : i32
    %eq3A = arith.constant 0 : i32
    %eq3A_1 = arith.cmpi eq, %arg0, %eq3A : i32
    %convert_element_type3A = arith.extui %eq3A_1 : i1 to i32
    %cond3A = arith.constant 0 : i32
    %cond3A_2 = arith.cmpi ne, %convert_element_type3A, %cond3A : i32
    scf.if %cond3A_2 {
      %iota3A_1396 = tpu.iota {dimensions = array<i32: 0>} : vector<200x5200xi32>
      %iota3A_1397 = tpu.iota {dimensions = array<i32: 1>} : vector<200x5200xi32>
      %mul3A_1398 = arith.constant 26 : i32
      %mul3A_1399 = vector.broadcast %mul3A_1398 : i32 to vector<200x5200xi32>
      %mul3A_1400 = arith.muli %mul3A_1399, %iota3A_1396 : vector<200x5200xi32>
      %sub3A_1401 = arith.subi %iota3A_1397, %mul3A_1400 : vector<200x5200xi32>
      %ge3A_1402 = arith.constant 0 : i32
      %ge3A_1403 = vector.broadcast %ge3A_1402 : i32 to vector<200x5200xi32>
      %ge3A_1404 = arith.cmpi sge, %sub3A_1401, %ge3A_1403 : vector<200x5200xi32>
      %lt3A_1405 = arith.constant 26 : i32
      %lt3A_1406 = vector.broadcast %lt3A_1405 : i32 to vector<200x5200xi32>
      %lt3A_1407 = arith.cmpi slt, %sub3A_1401, %lt3A_1406 : vector<200x5200xi32>
      %and3A_1408 = arith.andi %ge3A_1404, %lt3A_1407 : vector<200x5200xi1>
      %convert_element_type3A_1409 = arith.extui %and3A_1408 : vector<200x5200xi1> to vector<200x5200xi32>
      %convert_element_type3A_1410 = arith.sitofp %convert_element_type3A_1409 : vector<200x5200xi32> to vector<200x5200xf32>
      %convert_element_type3A_1411 = arith.truncf %convert_element_type3A_1410 : vector<200x5200xf32> to vector<200x5200xbf16>
      %swap3A_1412 = arith.constant 0 : index
      %swap3A_1413 = arith.constant 0 : index
      %swap3A_1414 = vector.load %arg5[%swap3A_1412, %swap3A_1413] : memref<200x5200xbf16, #tpu.memory_space<vmem>>, vector<200x5200xbf16>
      tpu.vector_store %arg5[%swap3A_1412, %swap3A_1413], %convert_element_type3A_1411 {strides = array<i32>} : memref<200x5200xbf16, #tpu.memory_space<vmem>>, vector<200x5200xbf16>,
      %iota3A_1415 = tpu.iota {dimensions = array<i32: 0>} : vector<200x2600xi32>
      %iota3A_1416 = tpu.iota {dimensions = array<i32: 1>} : vector<200x2600xi32>
      %mul3A_1417 = arith.constant 13 : i32
      %mul3A_1418 = vector.broadcast %mul3A_1417 : i32 to vector<200x2600xi32>
      %mul3A_1419 = arith.muli %mul3A_1418, %iota3A_1415 : vector<200x2600xi32>
      %sub3A_1420 = arith.subi %iota3A_1416, %mul3A_1419 : vector<200x2600xi32>
      %ge3A_1421 = arith.constant 0 : i32
      %ge3A_1422 = vector.broadcast %ge3A_1421 : i32 to vector<200x2600xi32>
      %ge3A_1423 = arith.cmpi sge, %sub3A_1420, %ge3A_1422 : vector<200x2600xi32>
      %lt3A_1424 = arith.constant 13 : i32
      %lt3A_1425 = vector.broadcast %lt3A_1424 : i32 to vector<200x2600xi32>
      %lt3A_1426 = arith.cmpi slt, %sub3A_1420, %lt3A_1425 : vector<200x2600xi32>
      %and3A_1427 = arith.andi %ge3A_1423, %lt3A_1426 : vector<200x2600xi1>
      %convert_element_type3A_1428 = arith.extui %and3A_1427 : vector<200x2600xi1> to vector<200x2600xi32>
      %convert_element_type3A_1429 = arith.sitofp %convert_element_type3A_1428 : vector<200x2600xi32> to vector<200x2600xf32>
      %convert_element_type3A_1430 = arith.truncf %convert_element_type3A_1429 : vector<200x2600xf32> to vector<200x2600xbf16>
      %swap3A_1431 = arith.constant 0 : index
      %swap3A_1432 = arith.constant 0 : index
      %swap3A_1433 = vector.load %arg6[%swap3A_1431, %swap3A_1432] : memref<200x2600xbf16, #tpu.memory_space<vmem>>, vector<200x2600xbf16>
      tpu.vector_store %arg6[%swap3A_1431, %swap3A_1432], %convert_element_type3A_1430 {strides = array<i32>} : memref<200x2600xbf16, #tpu.memory_space<vmem>>, vector<200x2600xbf16>,
      %iota3A_1434 = tpu.iota {dimensions = array<i32: 0>} : vector<64x5200xi32>
      %iota3A_1435 = tpu.iota {dimensions = array<i32: 1>} : vector<64x5200xi32>
      %mul3A_1436 = arith.constant 5200 : i32
      %mul3A_1437 = vector.broadcast %mul3A_1436 : i32 to vector<64x5200xi32>
      %mul3A_1438 = arith.muli %iota3A_1434, %mul3A_1437 : vector<64x5200xi32>
      %add3A_1439 = arith.addi %mul3A_1438, %iota3A_1435 : vector<64x5200xi32>
      %swap3A_1440 = arith.constant 0 : index
      %swap3A_1441 = arith.constant 0 : index
      %swap3A_1442 = vector.load %arg7[%swap3A_1440, %swap3A_1441] : memref<64x5200xi32, #tpu.memory_space<vmem>>, vector<64x5200xi32>
      tpu.vector_store %arg7[%swap3A_1440, %swap3A_1441], %add3A_1439 {strides = array<i32>} : memref<64x5200xi32, #tpu.memory_space<vmem>>, vector<64x5200xi32>,
      %iota3A_1443 = tpu.iota {dimensions = array<i32: 0>} : vector<64x2600xi32>
      %iota3A_1444 = tpu.iota {dimensions = array<i32: 1>} : vector<64x2600xi32>
      %mul3A_1445 = arith.constant 2600 : i32
      %mul3A_1446 = vector.broadcast %mul3A_1445 : i32 to vector<64x2600xi32>
      %mul3A_1447 = arith.muli %iota3A_1443, %mul3A_1446 : vector<64x2600xi32>
      %add3A_1448 = arith.addi %mul3A_1447, %iota3A_1444 : vector<64x2600xi32>
      %swap3A_1449 = arith.constant 0 : index
      %swap3A_1450 = arith.constant 0 : index
      %swap3A_1451 = vector.load %arg8[%swap3A_1449, %swap3A_1450] : memref<64x2600xi32, #tpu.memory_space<vmem>>, vector<64x2600xi32>
      tpu.vector_store %arg8[%swap3A_1449, %swap3A_1450], %add3A_1448 {strides = array<i32>} : memref<64x2600xi32, #tpu.memory_space<vmem>>, vector<64x2600xi32>,
      %iota3A_1452 = tpu.iota {dimensions = array<i32: 0>} : vector<64x200xi32>
      %iota3A_1453 = tpu.iota {dimensions = array<i32: 1>} : vector<64x200xi32>
      %mul3A_1454 = arith.constant 200 : i32
      %mul3A_1455 = vector.broadcast %mul3A_1454 : i32 to vector<64x200xi32>
      %mul3A_1456 = arith.muli %iota3A_1452, %mul3A_1455 : vector<64x200xi32>
      %add3A_1457 = arith.addi %mul3A_1456, %iota3A_1453 : vector<64x200xi32>
      %swap3A_1458 = arith.constant 0 : index
      %swap3A_1459 = arith.constant 0 : index
      %swap3A_1460 = vector.load %arg9[%swap3A_1458, %swap3A_1459] : memref<64x200xi32, #tpu.memory_space<vmem>>, vector<64x200xi32>
      tpu.vector_store %arg9[%swap3A_1458, %swap3A_1459], %add3A_1457 {strides = array<i32>} : memref<64x200xi32, #tpu.memory_space<vmem>>, vector<64x200xi32>,
    } else {
    }
    %get3A = arith.constant 0 : index
    %get3A_3 = arith.constant 0 : index
    %get3A_4 = vector.load %arg7[%get3A, %get3A_3] : memref<64x5200xi32, #tpu.memory_space<vmem>>, vector<64x5200xi32>
    %mul3A_5 = arith.constant 5200 : i32
    %mul3A_6 = arith.muli %mul3A_0, %mul3A_5 : i32
    %add3A = vector.broadcast %mul3A_6 : i32 to vector<64x5200xi32>
    %add3A_7 = arith.addi %get3A_4, %add3A : vector<64x5200xi32>
    %broadcast_in_dim3A = arith.constant 1832780943 : i32
    %broadcast_in_dim3A_8 = vector.broadcast %broadcast_in_dim3A : i32 to vector<64x5200xi32>
    %add3A_9 = arith.constant 270669613 : i32
    %add3A_10 = vector.broadcast %add3A_9 : i32 to vector<64x5200xi32>
    %add3A_11 = arith.addi %add3A_7, %add3A_10 : vector<64x5200xi32>
    %add3A_12 = arith.addi %broadcast_in_dim3A_8, %add3A_11 : vector<64x5200xi32>
    %shift_left3A = arith.constant 13 : i32
    %shift_left3A_13 = vector.broadcast %shift_left3A : i32 to vector<64x5200xi32>
    %shift_left3A_14 = arith.shli %add3A_11, %shift_left3A_13 : vector<64x5200xi32>
    %shift_right_logical3A = arith.constant 19 : i32
    %shift_right_logical3A_15 = vector.broadcast %shift_right_logical3A : i32 to vector<64x5200xi32>
    %shift_right_logical3A_16 = arith.shrui %add3A_11, %shift_right_logical3A_15 : vector<64x5200xi32>
    %or3A = arith.ori %shift_left3A_14, %shift_right_logical3A_16 : vector<64x5200xi32>
    %xor3A = arith.xori %or3A, %add3A_12 : vector<64x5200xi32>
    %add3A_17 = arith.addi %add3A_12, %xor3A : vector<64x5200xi32>
    %shift_left3A_18 = arith.constant 15 : i32
    %shift_left3A_19 = vector.broadcast %shift_left3A_18 : i32 to vector<64x5200xi32>
    %shift_left3A_20 = arith.shli %xor3A, %shift_left3A_19 : vector<64x5200xi32>
    %shift_right_logical3A_21 = arith.constant 17 : i32
    %shift_right_logical3A_22 = vector.broadcast %shift_right_logical3A_21 : i32 to vector<64x5200xi32>
    %shift_right_logical3A_23 = arith.shrui %xor3A, %shift_right_logical3A_22 : vector<64x5200xi32>
    %or3A_24 = arith.ori %shift_left3A_20, %shift_right_logical3A_23 : vector<64x5200xi32>
    %xor3A_25 = arith.xori %or3A_24, %add3A_17 : vector<64x5200xi32>
    %add3A_26 = arith.addi %add3A_17, %xor3A_25 : vector<64x5200xi32>
    %shift_left3A_27 = arith.constant 26 : i32
    %shift_left3A_28 = vector.broadcast %shift_left3A_27 : i32 to vector<64x5200xi32>
    %shift_left3A_29 = arith.shli %xor3A_25, %shift_left3A_28 : vector<64x5200xi32>
    %shift_right_logical3A_30 = arith.constant 6 : i32
    %shift_right_logical3A_31 = vector.broadcast %shift_right_logical3A_30 : i32 to vector<64x5200xi32>
    %shift_right_logical3A_32 = arith.shrui %xor3A_25, %shift_right_logical3A_31 : vector<64x5200xi32>
    %or3A_33 = arith.ori %shift_left3A_29, %shift_right_logical3A_32 : vector<64x5200xi32>
    %xor3A_34 = arith.xori %or3A_33, %add3A_26 : vector<64x5200xi32>
    %add3A_35 = arith.addi %add3A_26, %xor3A_34 : vector<64x5200xi32>
    %shift_left3A_36 = arith.constant 6 : i32
    %shift_left3A_37 = vector.broadcast %shift_left3A_36 : i32 to vector<64x5200xi32>
    %shift_left3A_38 = arith.shli %xor3A_34, %shift_left3A_37 : vector<64x5200xi32>
    %shift_right_logical3A_39 = arith.constant 26 : i32
    %shift_right_logical3A_40 = vector.broadcast %shift_right_logical3A_39 : i32 to vector<64x5200xi32>
    %shift_right_logical3A_41 = arith.shrui %xor3A_34, %shift_right_logical3A_40 : vector<64x5200xi32>
    %or3A_42 = arith.ori %shift_left3A_38, %shift_right_logical3A_41 : vector<64x5200xi32>
    %xor3A_43 = arith.xori %or3A_42, %add3A_35 : vector<64x5200xi32>
    %add3A_44 = arith.constant 270669613 : i32
    %add3A_45 = vector.broadcast %add3A_44 : i32 to vector<64x5200xi32>
    %add3A_46 = arith.addi %add3A_35, %add3A_45 : vector<64x5200xi32>
    %add3A_47 = arith.constant 1724713080 : i32
    %add3A_48 = arith.constant 1 : i32
    %add3A_49 = arith.addi %add3A_47, %add3A_48 : i32
    %add3A_50 = vector.broadcast %add3A_49 : i32 to vector<64x5200xi32>
    %add3A_51 = arith.addi %xor3A_43, %add3A_50 : vector<64x5200xi32>
    %add3A_52 = arith.addi %add3A_46, %add3A_51 : vector<64x5200xi32>
    %shift_left3A_53 = arith.constant 17 : i32
    %shift_left3A_54 = vector.broadcast %shift_left3A_53 : i32 to vector<64x5200xi32>
    %shift_left3A_55 = arith.shli %add3A_51, %shift_left3A_54 : vector<64x5200xi32>
    %shift_right_logical3A_56 = arith.constant 15 : i32
    %shift_right_logical3A_57 = vector.broadcast %shift_right_logical3A_56 : i32 to vector<64x5200xi32>
    %shift_right_logical3A_58 = arith.shrui %add3A_51, %shift_right_logical3A_57 : vector<64x5200xi32>
    %or3A_59 = arith.ori %shift_left3A_55, %shift_right_logical3A_58 : vector<64x5200xi32>
    %xor3A_60 = arith.xori %or3A_59, %add3A_52 : vector<64x5200xi32>
    %add3A_61 = arith.addi %add3A_52, %xor3A_60 : vector<64x5200xi32>
    %shift_left3A_62 = arith.constant 29 : i32
    %shift_left3A_63 = vector.broadcast %shift_left3A_62 : i32 to vector<64x5200xi32>
    %shift_left3A_64 = arith.shli %xor3A_60, %shift_left3A_63 : vector<64x5200xi32>
    %shift_right_logical3A_65 = arith.constant 3 : i32
    %shift_right_logical3A_66 = vector.broadcast %shift_right_logical3A_65 : i32 to vector<64x5200xi32>
    %shift_right_logical3A_67 = arith.shrui %xor3A_60, %shift_right_logical3A_66 : vector<64x5200xi32>
    %or3A_68 = arith.ori %shift_left3A_64, %shift_right_logical3A_67 : vector<64x5200xi32>
    %xor3A_69 = arith.xori %or3A_68, %add3A_61 : vector<64x5200xi32>
    %add3A_70 = arith.addi %add3A_61, %xor3A_69 : vector<64x5200xi32>
    %shift_left3A_71 = arith.constant 16 : i32
    %shift_left3A_72 = vector.broadcast %shift_left3A_71 : i32 to vector<64x5200xi32>
    %shift_left3A_73 = arith.shli %xor3A_69, %shift_left3A_72 : vector<64x5200xi32>
    %shift_right_logical3A_74 = arith.constant 16 : i32
    %shift_right_logical3A_75 = vector.broadcast %shift_right_logical3A_74 : i32 to vector<64x5200xi32>
    %shift_right_logical3A_76 = arith.shrui %xor3A_69, %shift_right_logical3A_75 : vector<64x5200xi32>
    %or3A_77 = arith.ori %shift_left3A_73, %shift_right_logical3A_76 : vector<64x5200xi32>
    %xor3A_78 = arith.xori %or3A_77, %add3A_70 : vector<64x5200xi32>
    %add3A_79 = arith.addi %add3A_70, %xor3A_78 : vector<64x5200xi32>
    %shift_left3A_80 = arith.constant 24 : i32
    %shift_left3A_81 = vector.broadcast %shift_left3A_80 : i32 to vector<64x5200xi32>
    %shift_left3A_82 = arith.shli %xor3A_78, %shift_left3A_81 : vector<64x5200xi32>
    %shift_right_logical3A_83 = arith.constant 8 : i32
    %shift_right_logical3A_84 = vector.broadcast %shift_right_logical3A_83 : i32 to vector<64x5200xi32>
    %shift_right_logical3A_85 = arith.shrui %xor3A_78, %shift_right_logical3A_84 : vector<64x5200xi32>
    %or3A_86 = arith.ori %shift_left3A_82, %shift_right_logical3A_85 : vector<64x5200xi32>
    %xor3A_87 = arith.xori %or3A_86, %add3A_79 : vector<64x5200xi32>
    %add3A_88 = arith.constant 1724713080 : i32
    %add3A_89 = vector.broadcast %add3A_88 : i32 to vector<64x5200xi32>
    %add3A_90 = arith.addi %add3A_79, %add3A_89 : vector<64x5200xi32>
    %add3A_91 = arith.constant 1832780943 : i32
    %add3A_92 = arith.constant 2 : i32
    %add3A_93 = arith.addi %add3A_91, %add3A_92 : i32
    %add3A_94 = vector.broadcast %add3A_93 : i32 to vector<64x5200xi32>
    %add3A_95 = arith.addi %xor3A_87, %add3A_94 : vector<64x5200xi32>
    %add3A_96 = arith.addi %add3A_90, %add3A_95 : vector<64x5200xi32>
    %shift_left3A_97 = arith.constant 13 : i32
    %shift_left3A_98 = vector.broadcast %shift_left3A_97 : i32 to vector<64x5200xi32>
    %shift_left3A_99 = arith.shli %add3A_95, %shift_left3A_98 : vector<64x5200xi32>
    %shift_right_logical3A_100 = arith.constant 19 : i32
    %shift_right_logical3A_101 = vector.broadcast %shift_right_logical3A_100 : i32 to vector<64x5200xi32>
    %shift_right_logical3A_102 = arith.shrui %add3A_95, %shift_right_logical3A_101 : vector<64x5200xi32>
    %or3A_103 = arith.ori %shift_left3A_99, %shift_right_logical3A_102 : vector<64x5200xi32>
    %xor3A_104 = arith.xori %or3A_103, %add3A_96 : vector<64x5200xi32>
    %add3A_105 = arith.addi %add3A_96, %xor3A_104 : vector<64x5200xi32>
    %shift_left3A_106 = arith.constant 15 : i32
    %shift_left3A_107 = vector.broadcast %shift_left3A_106 : i32 to vector<64x5200xi32>
    %shift_left3A_108 = arith.shli %xor3A_104, %shift_left3A_107 : vector<64x5200xi32>
    %shift_right_logical3A_109 = arith.constant 17 : i32
    %shift_right_logical3A_110 = vector.broadcast %shift_right_logical3A_109 : i32 to vector<64x5200xi32>
    %shift_right_logical3A_111 = arith.shrui %xor3A_104, %shift_right_logical3A_110 : vector<64x5200xi32>
    %or3A_112 = arith.ori %shift_left3A_108, %shift_right_logical3A_111 : vector<64x5200xi32>
    %xor3A_113 = arith.xori %or3A_112, %add3A_105 : vector<64x5200xi32>
    %add3A_114 = arith.addi %add3A_105, %xor3A_113 : vector<64x5200xi32>
    %shift_left3A_115 = arith.constant 26 : i32
    %shift_left3A_116 = vector.broadcast %shift_left3A_115 : i32 to vector<64x5200xi32>
    %shift_left3A_117 = arith.shli %xor3A_113, %shift_left3A_116 : vector<64x5200xi32>
    %shift_right_logical3A_118 = arith.constant 6 : i32
    %shift_right_logical3A_119 = vector.broadcast %shift_right_logical3A_118 : i32 to vector<64x5200xi32>
    %shift_right_logical3A_120 = arith.shrui %xor3A_113, %shift_right_logical3A_119 : vector<64x5200xi32>
    %or3A_121 = arith.ori %shift_left3A_117, %shift_right_logical3A_120 : vector<64x5200xi32>
    %xor3A_122 = arith.xori %or3A_121, %add3A_114 : vector<64x5200xi32>
    %add3A_123 = arith.addi %add3A_114, %xor3A_122 : vector<64x5200xi32>
    %shift_left3A_124 = arith.constant 6 : i32
    %shift_left3A_125 = vector.broadcast %shift_left3A_124 : i32 to vector<64x5200xi32>
    %shift_left3A_126 = arith.shli %xor3A_122, %shift_left3A_125 : vector<64x5200xi32>
    %shift_right_logical3A_127 = arith.constant 26 : i32
    %shift_right_logical3A_128 = vector.broadcast %shift_right_logical3A_127 : i32 to vector<64x5200xi32>
    %shift_right_logical3A_129 = arith.shrui %xor3A_122, %shift_right_logical3A_128 : vector<64x5200xi32>
    %or3A_130 = arith.ori %shift_left3A_126, %shift_right_logical3A_129 : vector<64x5200xi32>
    %xor3A_131 = arith.xori %or3A_130, %add3A_123 : vector<64x5200xi32>
    %add3A_132 = arith.constant 1832780943 : i32
    %add3A_133 = vector.broadcast %add3A_132 : i32 to vector<64x5200xi32>
    %add3A_134 = arith.addi %add3A_123, %add3A_133 : vector<64x5200xi32>
    %add3A_135 = arith.constant 270669613 : i32
    %add3A_136 = arith.constant 3 : i32
    %add3A_137 = arith.addi %add3A_135, %add3A_136 : i32
    %add3A_138 = vector.broadcast %add3A_137 : i32 to vector<64x5200xi32>
    %add3A_139 = arith.addi %xor3A_131, %add3A_138 : vector<64x5200xi32>
    %add3A_140 = arith.addi %add3A_134, %add3A_139 : vector<64x5200xi32>
    %shift_left3A_141 = arith.constant 17 : i32
    %shift_left3A_142 = vector.broadcast %shift_left3A_141 : i32 to vector<64x5200xi32>
    %shift_left3A_143 = arith.shli %add3A_139, %shift_left3A_142 : vector<64x5200xi32>
    %shift_right_logical3A_144 = arith.constant 15 : i32
    %shift_right_logical3A_145 = vector.broadcast %shift_right_logical3A_144 : i32 to vector<64x5200xi32>
    %shift_right_logical3A_146 = arith.shrui %add3A_139, %shift_right_logical3A_145 : vector<64x5200xi32>
    %or3A_147 = arith.ori %shift_left3A_143, %shift_right_logical3A_146 : vector<64x5200xi32>
    %xor3A_148 = arith.xori %or3A_147, %add3A_140 : vector<64x5200xi32>
    %add3A_149 = arith.addi %add3A_140, %xor3A_148 : vector<64x5200xi32>
    %shift_left3A_150 = arith.constant 29 : i32
    %shift_left3A_151 = vector.broadcast %shift_left3A_150 : i32 to vector<64x5200xi32>
    %shift_left3A_152 = arith.shli %xor3A_148, %shift_left3A_151 : vector<64x5200xi32>
    %shift_right_logical3A_153 = arith.constant 3 : i32
    %shift_right_logical3A_154 = vector.broadcast %shift_right_logical3A_153 : i32 to vector<64x5200xi32>
    %shift_right_logical3A_155 = arith.shrui %xor3A_148, %shift_right_logical3A_154 : vector<64x5200xi32>
    %or3A_156 = arith.ori %shift_left3A_152, %shift_right_logical3A_155 : vector<64x5200xi32>
    %xor3A_157 = arith.xori %or3A_156, %add3A_149 : vector<64x5200xi32>
    %add3A_158 = arith.addi %add3A_149, %xor3A_157 : vector<64x5200xi32>
    %shift_left3A_159 = arith.constant 16 : i32
    %shift_left3A_160 = vector.broadcast %shift_left3A_159 : i32 to vector<64x5200xi32>
    %shift_left3A_161 = arith.shli %xor3A_157, %shift_left3A_160 : vector<64x5200xi32>
    %shift_right_logical3A_162 = arith.constant 16 : i32
    %shift_right_logical3A_163 = vector.broadcast %shift_right_logical3A_162 : i32 to vector<64x5200xi32>
    %shift_right_logical3A_164 = arith.shrui %xor3A_157, %shift_right_logical3A_163 : vector<64x5200xi32>
    %or3A_165 = arith.ori %shift_left3A_161, %shift_right_logical3A_164 : vector<64x5200xi32>
    %xor3A_166 = arith.xori %or3A_165, %add3A_158 : vector<64x5200xi32>
    %add3A_167 = arith.addi %add3A_158, %xor3A_166 : vector<64x5200xi32>
    %shift_left3A_168 = arith.constant 24 : i32
    %shift_left3A_169 = vector.broadcast %shift_left3A_168 : i32 to vector<64x5200xi32>
    %shift_left3A_170 = arith.shli %xor3A_166, %shift_left3A_169 : vector<64x5200xi32>
    %shift_right_logical3A_171 = arith.constant 8 : i32
    %shift_right_logical3A_172 = vector.broadcast %shift_right_logical3A_171 : i32 to vector<64x5200xi32>
    %shift_right_logical3A_173 = arith.shrui %xor3A_166, %shift_right_logical3A_172 : vector<64x5200xi32>
    %or3A_174 = arith.ori %shift_left3A_170, %shift_right_logical3A_173 : vector<64x5200xi32>
    %xor3A_175 = arith.xori %or3A_174, %add3A_167 : vector<64x5200xi32>
    %add3A_176 = arith.constant 270669613 : i32
    %add3A_177 = vector.broadcast %add3A_176 : i32 to vector<64x5200xi32>
    %add3A_178 = arith.addi %add3A_167, %add3A_177 : vector<64x5200xi32>
    %add3A_179 = arith.constant 1724713080 : i32
    %add3A_180 = arith.constant 4 : i32
    %add3A_181 = arith.addi %add3A_179, %add3A_180 : i32
    %add3A_182 = vector.broadcast %add3A_181 : i32 to vector<64x5200xi32>
    %add3A_183 = arith.addi %xor3A_175, %add3A_182 : vector<64x5200xi32>
    %add3A_184 = arith.addi %add3A_178, %add3A_183 : vector<64x5200xi32>
    %shift_left3A_185 = arith.constant 13 : i32
    %shift_left3A_186 = vector.broadcast %shift_left3A_185 : i32 to vector<64x5200xi32>
    %shift_left3A_187 = arith.shli %add3A_183, %shift_left3A_186 : vector<64x5200xi32>
    %shift_right_logical3A_188 = arith.constant 19 : i32
    %shift_right_logical3A_189 = vector.broadcast %shift_right_logical3A_188 : i32 to vector<64x5200xi32>
    %shift_right_logical3A_190 = arith.shrui %add3A_183, %shift_right_logical3A_189 : vector<64x5200xi32>
    %or3A_191 = arith.ori %shift_left3A_187, %shift_right_logical3A_190 : vector<64x5200xi32>
    %xor3A_192 = arith.xori %or3A_191, %add3A_184 : vector<64x5200xi32>
    %add3A_193 = arith.addi %add3A_184, %xor3A_192 : vector<64x5200xi32>
    %shift_left3A_194 = arith.constant 15 : i32
    %shift_left3A_195 = vector.broadcast %shift_left3A_194 : i32 to vector<64x5200xi32>
    %shift_left3A_196 = arith.shli %xor3A_192, %shift_left3A_195 : vector<64x5200xi32>
    %shift_right_logical3A_197 = arith.constant 17 : i32
    %shift_right_logical3A_198 = vector.broadcast %shift_right_logical3A_197 : i32 to vector<64x5200xi32>
    %shift_right_logical3A_199 = arith.shrui %xor3A_192, %shift_right_logical3A_198 : vector<64x5200xi32>
    %or3A_200 = arith.ori %shift_left3A_196, %shift_right_logical3A_199 : vector<64x5200xi32>
    %xor3A_201 = arith.xori %or3A_200, %add3A_193 : vector<64x5200xi32>
    %add3A_202 = arith.addi %add3A_193, %xor3A_201 : vector<64x5200xi32>
    %shift_left3A_203 = arith.constant 26 : i32
    %shift_left3A_204 = vector.broadcast %shift_left3A_203 : i32 to vector<64x5200xi32>
    %shift_left3A_205 = arith.shli %xor3A_201, %shift_left3A_204 : vector<64x5200xi32>
    %shift_right_logical3A_206 = arith.constant 6 : i32
    %shift_right_logical3A_207 = vector.broadcast %shift_right_logical3A_206 : i32 to vector<64x5200xi32>
    %shift_right_logical3A_208 = arith.shrui %xor3A_201, %shift_right_logical3A_207 : vector<64x5200xi32>
    %or3A_209 = arith.ori %shift_left3A_205, %shift_right_logical3A_208 : vector<64x5200xi32>
    %xor3A_210 = arith.xori %or3A_209, %add3A_202 : vector<64x5200xi32>
    %add3A_211 = arith.addi %add3A_202, %xor3A_210 : vector<64x5200xi32>
    %shift_left3A_212 = arith.constant 6 : i32
    %shift_left3A_213 = vector.broadcast %shift_left3A_212 : i32 to vector<64x5200xi32>
    %shift_left3A_214 = arith.shli %xor3A_210, %shift_left3A_213 : vector<64x5200xi32>
    %shift_right_logical3A_215 = arith.constant 26 : i32
    %shift_right_logical3A_216 = vector.broadcast %shift_right_logical3A_215 : i32 to vector<64x5200xi32>
    %shift_right_logical3A_217 = arith.shrui %xor3A_210, %shift_right_logical3A_216 : vector<64x5200xi32>
    %or3A_218 = arith.ori %shift_left3A_214, %shift_right_logical3A_217 : vector<64x5200xi32>
    %xor3A_219 = arith.xori %or3A_218, %add3A_211 : vector<64x5200xi32>
    %add3A_220 = arith.constant 1724713080 : i32
    %add3A_221 = vector.broadcast %add3A_220 : i32 to vector<64x5200xi32>
    %add3A_222 = arith.addi %add3A_211, %add3A_221 : vector<64x5200xi32>
    %add3A_223 = arith.constant 1832780943 : i32
    %add3A_224 = arith.constant 5 : i32
    %add3A_225 = arith.addi %add3A_223, %add3A_224 : i32
    %add3A_226 = vector.broadcast %add3A_225 : i32 to vector<64x5200xi32>
    %add3A_227 = arith.addi %xor3A_219, %add3A_226 : vector<64x5200xi32>
    %xor3A_228 = arith.xori %add3A_222, %add3A_227 : vector<64x5200xi32>
    %shift_right_logical3A_229 = arith.constant 9 : i32
    %shift_right_logical3A_230 = vector.broadcast %shift_right_logical3A_229 : i32 to vector<64x5200xi32>
    %shift_right_logical3A_231 = arith.shrui %xor3A_228, %shift_right_logical3A_230 : vector<64x5200xi32>
    %broadcast_in_dim3A_232 = arith.constant -1944951124 : i32
    %broadcast_in_dim3A_233 = vector.broadcast %broadcast_in_dim3A_232 : i32 to vector<64x5200xi32>
    %add3A_234 = arith.constant 1168365246 : i32
    %add3A_235 = vector.broadcast %add3A_234 : i32 to vector<64x5200xi32>
    %add3A_236 = arith.addi %add3A_7, %add3A_235 : vector<64x5200xi32>
    %add3A_237 = arith.addi %broadcast_in_dim3A_233, %add3A_236 : vector<64x5200xi32>
    %shift_left3A_238 = arith.constant 13 : i32
    %shift_left3A_239 = vector.broadcast %shift_left3A_238 : i32 to vector<64x5200xi32>
    %shift_left3A_240 = arith.shli %add3A_236, %shift_left3A_239 : vector<64x5200xi32>
    %shift_right_logical3A_241 = arith.constant 19 : i32
    %shift_right_logical3A_242 = vector.broadcast %shift_right_logical3A_241 : i32 to vector<64x5200xi32>
    %shift_right_logical3A_243 = arith.shrui %add3A_236, %shift_right_logical3A_242 : vector<64x5200xi32>
    %or3A_244 = arith.ori %shift_left3A_240, %shift_right_logical3A_243 : vector<64x5200xi32>
    %xor3A_245 = arith.xori %or3A_244, %add3A_237 : vector<64x5200xi32>
    %add3A_246 = arith.addi %add3A_237, %xor3A_245 : vector<64x5200xi32>
    %shift_left3A_247 = arith.constant 15 : i32
    %shift_left3A_248 = vector.broadcast %shift_left3A_247 : i32 to vector<64x5200xi32>
    %shift_left3A_249 = arith.shli %xor3A_245, %shift_left3A_248 : vector<64x5200xi32>
    %shift_right_logical3A_250 = arith.constant 17 : i32
    %shift_right_logical3A_251 = vector.broadcast %shift_right_logical3A_250 : i32 to vector<64x5200xi32>
    %shift_right_logical3A_252 = arith.shrui %xor3A_245, %shift_right_logical3A_251 : vector<64x5200xi32>
    %or3A_253 = arith.ori %shift_left3A_249, %shift_right_logical3A_252 : vector<64x5200xi32>
    %xor3A_254 = arith.xori %or3A_253, %add3A_246 : vector<64x5200xi32>
    %add3A_255 = arith.addi %add3A_246, %xor3A_254 : vector<64x5200xi32>
    %shift_left3A_256 = arith.constant 26 : i32
    %shift_left3A_257 = vector.broadcast %shift_left3A_256 : i32 to vector<64x5200xi32>
    %shift_left3A_258 = arith.shli %xor3A_254, %shift_left3A_257 : vector<64x5200xi32>
    %shift_right_logical3A_259 = arith.constant 6 : i32
    %shift_right_logical3A_260 = vector.broadcast %shift_right_logical3A_259 : i32 to vector<64x5200xi32>
    %shift_right_logical3A_261 = arith.shrui %xor3A_254, %shift_right_logical3A_260 : vector<64x5200xi32>
    %or3A_262 = arith.ori %shift_left3A_258, %shift_right_logical3A_261 : vector<64x5200xi32>
    %xor3A_263 = arith.xori %or3A_262, %add3A_255 : vector<64x5200xi32>
    %add3A_264 = arith.addi %add3A_255, %xor3A_263 : vector<64x5200xi32>
    %shift_left3A_265 = arith.constant 6 : i32
    %shift_left3A_266 = vector.broadcast %shift_left3A_265 : i32 to vector<64x5200xi32>
    %shift_left3A_267 = arith.shli %xor3A_263, %shift_left3A_266 : vector<64x5200xi32>
    %shift_right_logical3A_268 = arith.constant 26 : i32
    %shift_right_logical3A_269 = vector.broadcast %shift_right_logical3A_268 : i32 to vector<64x5200xi32>
    %shift_right_logical3A_270 = arith.shrui %xor3A_263, %shift_right_logical3A_269 : vector<64x5200xi32>
    %or3A_271 = arith.ori %shift_left3A_267, %shift_right_logical3A_270 : vector<64x5200xi32>
    %xor3A_272 = arith.xori %or3A_271, %add3A_264 : vector<64x5200xi32>
    %add3A_273 = arith.constant 1168365246 : i32
    %add3A_274 = vector.broadcast %add3A_273 : i32 to vector<64x5200xi32>
    %add3A_275 = arith.addi %add3A_264, %add3A_274 : vector<64x5200xi32>
    %add3A_276 = arith.constant -765416504 : i32
    %add3A_277 = arith.constant 1 : i32
    %add3A_278 = arith.addi %add3A_276, %add3A_277 : i32
    %add3A_279 = vector.broadcast %add3A_278 : i32 to vector<64x5200xi32>
    %add3A_280 = arith.addi %xor3A_272, %add3A_279 : vector<64x5200xi32>
    %add3A_281 = arith.addi %add3A_275, %add3A_280 : vector<64x5200xi32>
    %shift_left3A_282 = arith.constant 17 : i32
    %shift_left3A_283 = vector.broadcast %shift_left3A_282 : i32 to vector<64x5200xi32>
    %shift_left3A_284 = arith.shli %add3A_280, %shift_left3A_283 : vector<64x5200xi32>
    %shift_right_logical3A_285 = arith.constant 15 : i32
    %shift_right_logical3A_286 = vector.broadcast %shift_right_logical3A_285 : i32 to vector<64x5200xi32>
    %shift_right_logical3A_287 = arith.shrui %add3A_280, %shift_right_logical3A_286 : vector<64x5200xi32>
    %or3A_288 = arith.ori %shift_left3A_284, %shift_right_logical3A_287 : vector<64x5200xi32>
    %xor3A_289 = arith.xori %or3A_288, %add3A_281 : vector<64x5200xi32>
    %add3A_290 = arith.addi %add3A_281, %xor3A_289 : vector<64x5200xi32>
    %shift_left3A_291 = arith.constant 29 : i32
    %shift_left3A_292 = vector.broadcast %shift_left3A_291 : i32 to vector<64x5200xi32>
    %shift_left3A_293 = arith.shli %xor3A_289, %shift_left3A_292 : vector<64x5200xi32>
    %shift_right_logical3A_294 = arith.constant 3 : i32
    %shift_right_logical3A_295 = vector.broadcast %shift_right_logical3A_294 : i32 to vector<64x5200xi32>
    %shift_right_logical3A_296 = arith.shrui %xor3A_289, %shift_right_logical3A_295 : vector<64x5200xi32>
    %or3A_297 = arith.ori %shift_left3A_293, %shift_right_logical3A_296 : vector<64x5200xi32>
    %xor3A_298 = arith.xori %or3A_297, %add3A_290 : vector<64x5200xi32>
    %add3A_299 = arith.addi %add3A_290, %xor3A_298 : vector<64x5200xi32>
    %shift_left3A_300 = arith.constant 16 : i32
    %shift_left3A_301 = vector.broadcast %shift_left3A_300 : i32 to vector<64x5200xi32>
    %shift_left3A_302 = arith.shli %xor3A_298, %shift_left3A_301 : vector<64x5200xi32>
    %shift_right_logical3A_303 = arith.constant 16 : i32
    %shift_right_logical3A_304 = vector.broadcast %shift_right_logical3A_303 : i32 to vector<64x5200xi32>
    %shift_right_logical3A_305 = arith.shrui %xor3A_298, %shift_right_logical3A_304 : vector<64x5200xi32>
    %or3A_306 = arith.ori %shift_left3A_302, %shift_right_logical3A_305 : vector<64x5200xi32>
    %xor3A_307 = arith.xori %or3A_306, %add3A_299 : vector<64x5200xi32>
    %add3A_308 = arith.addi %add3A_299, %xor3A_307 : vector<64x5200xi32>
    %shift_left3A_309 = arith.constant 24 : i32
    %shift_left3A_310 = vector.broadcast %shift_left3A_309 : i32 to vector<64x5200xi32>
    %shift_left3A_311 = arith.shli %xor3A_307, %shift_left3A_310 : vector<64x5200xi32>
    %shift_right_logical3A_312 = arith.constant 8 : i32
    %shift_right_logical3A_313 = vector.broadcast %shift_right_logical3A_312 : i32 to vector<64x5200xi32>
    %shift_right_logical3A_314 = arith.shrui %xor3A_307, %shift_right_logical3A_313 : vector<64x5200xi32>
    %or3A_315 = arith.ori %shift_left3A_311, %shift_right_logical3A_314 : vector<64x5200xi32>
    %xor3A_316 = arith.xori %or3A_315, %add3A_308 : vector<64x5200xi32>
    %add3A_317 = arith.constant -765416504 : i32
    %add3A_318 = vector.broadcast %add3A_317 : i32 to vector<64x5200xi32>
    %add3A_319 = arith.addi %add3A_308, %add3A_318 : vector<64x5200xi32>
    %add3A_320 = arith.constant -1944951124 : i32
    %add3A_321 = arith.constant 2 : i32
    %add3A_322 = arith.addi %add3A_320, %add3A_321 : i32
    %add3A_323 = vector.broadcast %add3A_322 : i32 to vector<64x5200xi32>
    %add3A_324 = arith.addi %xor3A_316, %add3A_323 : vector<64x5200xi32>
    %add3A_325 = arith.addi %add3A_319, %add3A_324 : vector<64x5200xi32>
    %shift_left3A_326 = arith.constant 13 : i32
    %shift_left3A_327 = vector.broadcast %shift_left3A_326 : i32 to vector<64x5200xi32>
    %shift_left3A_328 = arith.shli %add3A_324, %shift_left3A_327 : vector<64x5200xi32>
    %shift_right_logical3A_329 = arith.constant 19 : i32
    %shift_right_logical3A_330 = vector.broadcast %shift_right_logical3A_329 : i32 to vector<64x5200xi32>
    %shift_right_logical3A_331 = arith.shrui %add3A_324, %shift_right_logical3A_330 : vector<64x5200xi32>
    %or3A_332 = arith.ori %shift_left3A_328, %shift_right_logical3A_331 : vector<64x5200xi32>
    %xor3A_333 = arith.xori %or3A_332, %add3A_325 : vector<64x5200xi32>
    %add3A_334 = arith.addi %add3A_325, %xor3A_333 : vector<64x5200xi32>
    %shift_left3A_335 = arith.constant 15 : i32
    %shift_left3A_336 = vector.broadcast %shift_left3A_335 : i32 to vector<64x5200xi32>
    %shift_left3A_337 = arith.shli %xor3A_333, %shift_left3A_336 : vector<64x5200xi32>
    %shift_right_logical3A_338 = arith.constant 17 : i32
    %shift_right_logical3A_339 = vector.broadcast %shift_right_logical3A_338 : i32 to vector<64x5200xi32>
    %shift_right_logical3A_340 = arith.shrui %xor3A_333, %shift_right_logical3A_339 : vector<64x5200xi32>
    %or3A_341 = arith.ori %shift_left3A_337, %shift_right_logical3A_340 : vector<64x5200xi32>
    %xor3A_342 = arith.xori %or3A_341, %add3A_334 : vector<64x5200xi32>
    %add3A_343 = arith.addi %add3A_334, %xor3A_342 : vector<64x5200xi32>
    %shift_left3A_344 = arith.constant 26 : i32
    %shift_left3A_345 = vector.broadcast %shift_left3A_344 : i32 to vector<64x5200xi32>
    %shift_left3A_346 = arith.shli %xor3A_342, %shift_left3A_345 : vector<64x5200xi32>
    %shift_right_logical3A_347 = arith.constant 6 : i32
    %shift_right_logical3A_348 = vector.broadcast %shift_right_logical3A_347 : i32 to vector<64x5200xi32>
    %shift_right_logical3A_349 = arith.shrui %xor3A_342, %shift_right_logical3A_348 : vector<64x5200xi32>
    %or3A_350 = arith.ori %shift_left3A_346, %shift_right_logical3A_349 : vector<64x5200xi32>
    %xor3A_351 = arith.xori %or3A_350, %add3A_343 : vector<64x5200xi32>
    %add3A_352 = arith.addi %add3A_343, %xor3A_351 : vector<64x5200xi32>
    %shift_left3A_353 = arith.constant 6 : i32
    %shift_left3A_354 = vector.broadcast %shift_left3A_353 : i32 to vector<64x5200xi32>
    %shift_left3A_355 = arith.shli %xor3A_351, %shift_left3A_354 : vector<64x5200xi32>
    %shift_right_logical3A_356 = arith.constant 26 : i32
    %shift_right_logical3A_357 = vector.broadcast %shift_right_logical3A_356 : i32 to vector<64x5200xi32>
    %shift_right_logical3A_358 = arith.shrui %xor3A_351, %shift_right_logical3A_357 : vector<64x5200xi32>
    %or3A_359 = arith.ori %shift_left3A_355, %shift_right_logical3A_358 : vector<64x5200xi32>
    %xor3A_360 = arith.xori %or3A_359, %add3A_352 : vector<64x5200xi32>
    %add3A_361 = arith.constant -1944951124 : i32
    %add3A_362 = vector.broadcast %add3A_361 : i32 to vector<64x5200xi32>
    %add3A_363 = arith.addi %add3A_352, %add3A_362 : vector<64x5200xi32>
    %add3A_364 = arith.constant 1168365246 : i32
    %add3A_365 = arith.constant 3 : i32
    %add3A_366 = arith.addi %add3A_364, %add3A_365 : i32
    %add3A_367 = vector.broadcast %add3A_366 : i32 to vector<64x5200xi32>
    %add3A_368 = arith.addi %xor3A_360, %add3A_367 : vector<64x5200xi32>
    %add3A_369 = arith.addi %add3A_363, %add3A_368 : vector<64x5200xi32>
    %shift_left3A_370 = arith.constant 17 : i32
    %shift_left3A_371 = vector.broadcast %shift_left3A_370 : i32 to vector<64x5200xi32>
    %shift_left3A_372 = arith.shli %add3A_368, %shift_left3A_371 : vector<64x5200xi32>
    %shift_right_logical3A_373 = arith.constant 15 : i32
    %shift_right_logical3A_374 = vector.broadcast %shift_right_logical3A_373 : i32 to vector<64x5200xi32>
    %shift_right_logical3A_375 = arith.shrui %add3A_368, %shift_right_logical3A_374 : vector<64x5200xi32>
    %or3A_376 = arith.ori %shift_left3A_372, %shift_right_logical3A_375 : vector<64x5200xi32>
    %xor3A_377 = arith.xori %or3A_376, %add3A_369 : vector<64x5200xi32>
    %add3A_378 = arith.addi %add3A_369, %xor3A_377 : vector<64x5200xi32>
    %shift_left3A_379 = arith.constant 29 : i32
    %shift_left3A_380 = vector.broadcast %shift_left3A_379 : i32 to vector<64x5200xi32>
    %shift_left3A_381 = arith.shli %xor3A_377, %shift_left3A_380 : vector<64x5200xi32>
    %shift_right_logical3A_382 = arith.constant 3 : i32
    %shift_right_logical3A_383 = vector.broadcast %shift_right_logical3A_382 : i32 to vector<64x5200xi32>
    %shift_right_logical3A_384 = arith.shrui %xor3A_377, %shift_right_logical3A_383 : vector<64x5200xi32>
    %or3A_385 = arith.ori %shift_left3A_381, %shift_right_logical3A_384 : vector<64x5200xi32>
    %xor3A_386 = arith.xori %or3A_385, %add3A_378 : vector<64x5200xi32>
    %add3A_387 = arith.addi %add3A_378, %xor3A_386 : vector<64x5200xi32>
    %shift_left3A_388 = arith.constant 16 : i32
    %shift_left3A_389 = vector.broadcast %shift_left3A_388 : i32 to vector<64x5200xi32>
    %shift_left3A_390 = arith.shli %xor3A_386, %shift_left3A_389 : vector<64x5200xi32>
    %shift_right_logical3A_391 = arith.constant 16 : i32
    %shift_right_logical3A_392 = vector.broadcast %shift_right_logical3A_391 : i32 to vector<64x5200xi32>
    %shift_right_logical3A_393 = arith.shrui %xor3A_386, %shift_right_logical3A_392 : vector<64x5200xi32>
    %or3A_394 = arith.ori %shift_left3A_390, %shift_right_logical3A_393 : vector<64x5200xi32>
    %xor3A_395 = arith.xori %or3A_394, %add3A_387 : vector<64x5200xi32>
    %add3A_396 = arith.addi %add3A_387, %xor3A_395 : vector<64x5200xi32>
    %shift_left3A_397 = arith.constant 24 : i32
    %shift_left3A_398 = vector.broadcast %shift_left3A_397 : i32 to vector<64x5200xi32>
    %shift_left3A_399 = arith.shli %xor3A_395, %shift_left3A_398 : vector<64x5200xi32>
    %shift_right_logical3A_400 = arith.constant 8 : i32
    %shift_right_logical3A_401 = vector.broadcast %shift_right_logical3A_400 : i32 to vector<64x5200xi32>
    %shift_right_logical3A_402 = arith.shrui %xor3A_395, %shift_right_logical3A_401 : vector<64x5200xi32>
    %or3A_403 = arith.ori %shift_left3A_399, %shift_right_logical3A_402 : vector<64x5200xi32>
    %xor3A_404 = arith.xori %or3A_403, %add3A_396 : vector<64x5200xi32>
    %add3A_405 = arith.constant 1168365246 : i32
    %add3A_406 = vector.broadcast %add3A_405 : i32 to vector<64x5200xi32>
    %add3A_407 = arith.addi %add3A_396, %add3A_406 : vector<64x5200xi32>
    %add3A_408 = arith.constant -765416504 : i32
    %add3A_409 = arith.constant 4 : i32
    %add3A_410 = arith.addi %add3A_408, %add3A_409 : i32
    %add3A_411 = vector.broadcast %add3A_410 : i32 to vector<64x5200xi32>
    %add3A_412 = arith.addi %xor3A_404, %add3A_411 : vector<64x5200xi32>
    %add3A_413 = arith.addi %add3A_407, %add3A_412 : vector<64x5200xi32>
    %shift_left3A_414 = arith.constant 13 : i32
    %shift_left3A_415 = vector.broadcast %shift_left3A_414 : i32 to vector<64x5200xi32>
    %shift_left3A_416 = arith.shli %add3A_412, %shift_left3A_415 : vector<64x5200xi32>
    %shift_right_logical3A_417 = arith.constant 19 : i32
    %shift_right_logical3A_418 = vector.broadcast %shift_right_logical3A_417 : i32 to vector<64x5200xi32>
    %shift_right_logical3A_419 = arith.shrui %add3A_412, %shift_right_logical3A_418 : vector<64x5200xi32>
    %or3A_420 = arith.ori %shift_left3A_416, %shift_right_logical3A_419 : vector<64x5200xi32>
    %xor3A_421 = arith.xori %or3A_420, %add3A_413 : vector<64x5200xi32>
    %add3A_422 = arith.addi %add3A_413, %xor3A_421 : vector<64x5200xi32>
    %shift_left3A_423 = arith.constant 15 : i32
    %shift_left3A_424 = vector.broadcast %shift_left3A_423 : i32 to vector<64x5200xi32>
    %shift_left3A_425 = arith.shli %xor3A_421, %shift_left3A_424 : vector<64x5200xi32>
    %shift_right_logical3A_426 = arith.constant 17 : i32
    %shift_right_logical3A_427 = vector.broadcast %shift_right_logical3A_426 : i32 to vector<64x5200xi32>
    %shift_right_logical3A_428 = arith.shrui %xor3A_421, %shift_right_logical3A_427 : vector<64x5200xi32>
    %or3A_429 = arith.ori %shift_left3A_425, %shift_right_logical3A_428 : vector<64x5200xi32>
    %xor3A_430 = arith.xori %or3A_429, %add3A_422 : vector<64x5200xi32>
    %add3A_431 = arith.addi %add3A_422, %xor3A_430 : vector<64x5200xi32>
    %shift_left3A_432 = arith.constant 26 : i32
    %shift_left3A_433 = vector.broadcast %shift_left3A_432 : i32 to vector<64x5200xi32>
    %shift_left3A_434 = arith.shli %xor3A_430, %shift_left3A_433 : vector<64x5200xi32>
    %shift_right_logical3A_435 = arith.constant 6 : i32
    %shift_right_logical3A_436 = vector.broadcast %shift_right_logical3A_435 : i32 to vector<64x5200xi32>
    %shift_right_logical3A_437 = arith.shrui %xor3A_430, %shift_right_logical3A_436 : vector<64x5200xi32>
    %or3A_438 = arith.ori %shift_left3A_434, %shift_right_logical3A_437 : vector<64x5200xi32>
    %xor3A_439 = arith.xori %or3A_438, %add3A_431 : vector<64x5200xi32>
    %add3A_440 = arith.addi %add3A_431, %xor3A_439 : vector<64x5200xi32>
    %shift_left3A_441 = arith.constant 6 : i32
    %shift_left3A_442 = vector.broadcast %shift_left3A_441 : i32 to vector<64x5200xi32>
    %shift_left3A_443 = arith.shli %xor3A_439, %shift_left3A_442 : vector<64x5200xi32>
    %shift_right_logical3A_444 = arith.constant 26 : i32
    %shift_right_logical3A_445 = vector.broadcast %shift_right_logical3A_444 : i32 to vector<64x5200xi32>
    %shift_right_logical3A_446 = arith.shrui %xor3A_439, %shift_right_logical3A_445 : vector<64x5200xi32>
    %or3A_447 = arith.ori %shift_left3A_443, %shift_right_logical3A_446 : vector<64x5200xi32>
    %xor3A_448 = arith.xori %or3A_447, %add3A_440 : vector<64x5200xi32>
    %add3A_449 = arith.constant -765416504 : i32
    %add3A_450 = vector.broadcast %add3A_449 : i32 to vector<64x5200xi32>
    %add3A_451 = arith.addi %add3A_440, %add3A_450 : vector<64x5200xi32>
    %add3A_452 = arith.constant -1944951124 : i32
    %add3A_453 = arith.constant 5 : i32
    %add3A_454 = arith.addi %add3A_452, %add3A_453 : i32
    %add3A_455 = vector.broadcast %add3A_454 : i32 to vector<64x5200xi32>
    %add3A_456 = arith.addi %xor3A_448, %add3A_455 : vector<64x5200xi32>
    %xor3A_457 = arith.xori %add3A_451, %add3A_456 : vector<64x5200xi32>
    %convert_element_type3A_458 = arith.sitofp %xor3A_457 : vector<64x5200xi32> to vector<64x5200xf32>
    %lt3A = arith.constant 0 : i32
    %lt3A_459 = vector.broadcast %lt3A : i32 to vector<64x5200xi32>
    %lt3A_460 = arith.cmpi slt, %xor3A_457, %lt3A_459 : vector<64x5200xi32>
    %jit3A = arith.constant 4.2949673E+9 : f32
    %jit3A_461 = arith.constant 0.000000e+00 : f32
    %broadcast_in_dim3A_462 = vector.broadcast %jit3A : f32 to vector<64x5200xf32>
    %broadcast_in_dim3A_463 = vector.broadcast %jit3A_461 : f32 to vector<64x5200xf32>
    %select_n3A = arith.select %lt3A_460, %broadcast_in_dim3A_462, %broadcast_in_dim3A_463 : vector<64x5200xi1>, vector<64x5200xf32>
    %add3A_464 = arith.addf %convert_element_type3A_458, %select_n3A : vector<64x5200xf32>
    %mul3A_465 = arith.constant 9.99999974E-6 : f32
    %mul3A_466 = vector.broadcast %mul3A_465 : f32 to vector<64x5200xf32>
    %mul3A_467 = arith.mulf %add3A_464, %mul3A_466 : vector<64x5200xf32>
    %convert_element_type3A_468 = arith.fptosi %mul3A_467 : vector<64x5200xf32> to vector<64x5200xi32>
    %mul3A_469 = arith.constant 100000 : i32
    %mul3A_470 = vector.broadcast %mul3A_469 : i32 to vector<64x5200xi32>
    %mul3A_471 = arith.muli %convert_element_type3A_468, %mul3A_470 : vector<64x5200xi32>
    %sub3A = arith.subi %xor3A_457, %mul3A_471 : vector<64x5200xi32>
    %lt3A_472 = arith.constant 0 : i32
    %lt3A_473 = vector.broadcast %lt3A_472 : i32 to vector<64x5200xi32>
    %lt3A_474 = arith.cmpi slt, %sub3A, %lt3A_473 : vector<64x5200xi32>
    %jit3A_475 = arith.constant 100000 : i32
    %jit3A_476 = arith.constant 0 : i32
    %broadcast_in_dim3A_477 = vector.broadcast %jit3A_475 : i32 to vector<64x5200xi32>
    %broadcast_in_dim3A_478 = vector.broadcast %jit3A_476 : i32 to vector<64x5200xi32>
    %select_n3A_479 = arith.select %lt3A_474, %broadcast_in_dim3A_477, %broadcast_in_dim3A_478 : vector<64x5200xi1>, vector<64x5200xi32>
    %add3A_480 = arith.addi %sub3A, %select_n3A_479 : vector<64x5200xi32>
    %ge3A = arith.constant 100000 : i32
    %ge3A_481 = vector.broadcast %ge3A : i32 to vector<64x5200xi32>
    %ge3A_482 = arith.cmpi sge, %add3A_480, %ge3A_481 : vector<64x5200xi32>
    %jit3A_483 = arith.constant 100000 : i32
    %jit3A_484 = arith.constant 0 : i32
    %broadcast_in_dim3A_485 = vector.broadcast %jit3A_483 : i32 to vector<64x5200xi32>
    %broadcast_in_dim3A_486 = vector.broadcast %jit3A_484 : i32 to vector<64x5200xi32>
    %select_n3A_487 = arith.select %ge3A_482, %broadcast_in_dim3A_485, %broadcast_in_dim3A_486 : vector<64x5200xi1>, vector<64x5200xi32>
    %sub3A_488 = arith.subi %add3A_480, %select_n3A_487 : vector<64x5200xi32>
    %gt3A = arith.constant 838860 : i32
    %gt3A_489 = vector.broadcast %gt3A : i32 to vector<64x5200xi32>
    %gt3A_490 = arith.cmpi sgt, %shift_right_logical3A_231, %gt3A_489 : vector<64x5200xi32>
    %get3A_491 = arith.constant 0 : index
    %get3A_492 = arith.constant 0 : index
    %get3A_493 = vector.load %arg1[%get3A_491, %get3A_492] : memref<64x5200xi32, #tpu.memory_space<vmem>>, vector<64x5200xi32>
    %select_n3A_494 = arith.select %gt3A_490, %get3A_493, %sub3A_488 : vector<64x5200xi1>, vector<64x5200xi32>
    %get3A_495 = arith.constant 0 : index
    %get3A_496 = arith.constant 0 : index
    %get3A_497 = vector.load %arg8[%get3A_495, %get3A_496] : memref<64x2600xi32, #tpu.memory_space<vmem>>, vector<64x2600xi32>
    %mul3A_498 = arith.constant 2600 : i32
    %mul3A_499 = arith.muli %mul3A_0, %mul3A_498 : i32
    %add3A_500 = vector.broadcast %mul3A_499 : i32 to vector<64x2600xi32>
    %add3A_501 = arith.addi %get3A_497, %add3A_500 : vector<64x2600xi32>
    %broadcast_in_dim3A_502 = arith.constant -1829035798 : i32
    %broadcast_in_dim3A_503 = vector.broadcast %broadcast_in_dim3A_502 : i32 to vector<64x2600xi32>
    %add3A_504 = arith.constant 255383827 : i32
    %add3A_505 = vector.broadcast %add3A_504 : i32 to vector<64x2600xi32>
    %add3A_506 = arith.addi %add3A_501, %add3A_505 : vector<64x2600xi32>
    %add3A_507 = arith.addi %broadcast_in_dim3A_503, %add3A_506 : vector<64x2600xi32>
    %shift_left3A_508 = arith.constant 13 : i32
    %shift_left3A_509 = vector.broadcast %shift_left3A_508 : i32 to vector<64x2600xi32>
    %shift_left3A_510 = arith.shli %add3A_506, %shift_left3A_509 : vector<64x2600xi32>
    %shift_right_logical3A_511 = arith.constant 19 : i32
    %shift_right_logical3A_512 = vector.broadcast %shift_right_logical3A_511 : i32 to vector<64x2600xi32>
    %shift_right_logical3A_513 = arith.shrui %add3A_506, %shift_right_logical3A_512 : vector<64x2600xi32>
    %or3A_514 = arith.ori %shift_left3A_510, %shift_right_logical3A_513 : vector<64x2600xi32>
    %xor3A_515 = arith.xori %or3A_514, %add3A_507 : vector<64x2600xi32>
    %add3A_516 = arith.addi %add3A_507, %xor3A_515 : vector<64x2600xi32>
    %shift_left3A_517 = arith.constant 15 : i32
    %shift_left3A_518 = vector.broadcast %shift_left3A_517 : i32 to vector<64x2600xi32>
    %shift_left3A_519 = arith.shli %xor3A_515, %shift_left3A_518 : vector<64x2600xi32>
    %shift_right_logical3A_520 = arith.constant 17 : i32
    %shift_right_logical3A_521 = vector.broadcast %shift_right_logical3A_520 : i32 to vector<64x2600xi32>
    %shift_right_logical3A_522 = arith.shrui %xor3A_515, %shift_right_logical3A_521 : vector<64x2600xi32>
    %or3A_523 = arith.ori %shift_left3A_519, %shift_right_logical3A_522 : vector<64x2600xi32>
    %xor3A_524 = arith.xori %or3A_523, %add3A_516 : vector<64x2600xi32>
    %add3A_525 = arith.addi %add3A_516, %xor3A_524 : vector<64x2600xi32>
    %shift_left3A_526 = arith.constant 26 : i32
    %shift_left3A_527 = vector.broadcast %shift_left3A_526 : i32 to vector<64x2600xi32>
    %shift_left3A_528 = arith.shli %xor3A_524, %shift_left3A_527 : vector<64x2600xi32>
    %shift_right_logical3A_529 = arith.constant 6 : i32
    %shift_right_logical3A_530 = vector.broadcast %shift_right_logical3A_529 : i32 to vector<64x2600xi32>
    %shift_right_logical3A_531 = arith.shrui %xor3A_524, %shift_right_logical3A_530 : vector<64x2600xi32>
    %or3A_532 = arith.ori %shift_left3A_528, %shift_right_logical3A_531 : vector<64x2600xi32>
    %xor3A_533 = arith.xori %or3A_532, %add3A_525 : vector<64x2600xi32>
    %add3A_534 = arith.addi %add3A_525, %xor3A_533 : vector<64x2600xi32>
    %shift_left3A_535 = arith.constant 6 : i32
    %shift_left3A_536 = vector.broadcast %shift_left3A_535 : i32 to vector<64x2600xi32>
    %shift_left3A_537 = arith.shli %xor3A_533, %shift_left3A_536 : vector<64x2600xi32>
    %shift_right_logical3A_538 = arith.constant 26 : i32
    %shift_right_logical3A_539 = vector.broadcast %shift_right_logical3A_538 : i32 to vector<64x2600xi32>
    %shift_right_logical3A_540 = arith.shrui %xor3A_533, %shift_right_logical3A_539 : vector<64x2600xi32>
    %or3A_541 = arith.ori %shift_left3A_537, %shift_right_logical3A_540 : vector<64x2600xi32>
    %xor3A_542 = arith.xori %or3A_541, %add3A_534 : vector<64x2600xi32>
    %add3A_543 = arith.constant 255383827 : i32
    %add3A_544 = vector.broadcast %add3A_543 : i32 to vector<64x2600xi32>
    %add3A_545 = arith.addi %add3A_534, %add3A_544 : vector<64x2600xi32>
    %add3A_546 = arith.constant -2045582813 : i32
    %add3A_547 = arith.constant 1 : i32
    %add3A_548 = arith.addi %add3A_546, %add3A_547 : i32
    %add3A_549 = vector.broadcast %add3A_548 : i32 to vector<64x2600xi32>
    %add3A_550 = arith.addi %xor3A_542, %add3A_549 : vector<64x2600xi32>
    %add3A_551 = arith.addi %add3A_545, %add3A_550 : vector<64x2600xi32>
    %shift_left3A_552 = arith.constant 17 : i32
    %shift_left3A_553 = vector.broadcast %shift_left3A_552 : i32 to vector<64x2600xi32>
    %shift_left3A_554 = arith.shli %add3A_550, %shift_left3A_553 : vector<64x2600xi32>
    %shift_right_logical3A_555 = arith.constant 15 : i32
    %shift_right_logical3A_556 = vector.broadcast %shift_right_logical3A_555 : i32 to vector<64x2600xi32>
    %shift_right_logical3A_557 = arith.shrui %add3A_550, %shift_right_logical3A_556 : vector<64x2600xi32>
    %or3A_558 = arith.ori %shift_left3A_554, %shift_right_logical3A_557 : vector<64x2600xi32>
    %xor3A_559 = arith.xori %or3A_558, %add3A_551 : vector<64x2600xi32>
    %add3A_560 = arith.addi %add3A_551, %xor3A_559 : vector<64x2600xi32>
    %shift_left3A_561 = arith.constant 29 : i32
    %shift_left3A_562 = vector.broadcast %shift_left3A_561 : i32 to vector<64x2600xi32>
    %shift_left3A_563 = arith.shli %xor3A_559, %shift_left3A_562 : vector<64x2600xi32>
    %shift_right_logical3A_564 = arith.constant 3 : i32
    %shift_right_logical3A_565 = vector.broadcast %shift_right_logical3A_564 : i32 to vector<64x2600xi32>
    %shift_right_logical3A_566 = arith.shrui %xor3A_559, %shift_right_logical3A_565 : vector<64x2600xi32>
    %or3A_567 = arith.ori %shift_left3A_563, %shift_right_logical3A_566 : vector<64x2600xi32>
    %xor3A_568 = arith.xori %or3A_567, %add3A_560 : vector<64x2600xi32>
    %add3A_569 = arith.addi %add3A_560, %xor3A_568 : vector<64x2600xi32>
    %shift_left3A_570 = arith.constant 16 : i32
    %shift_left3A_571 = vector.broadcast %shift_left3A_570 : i32 to vector<64x2600xi32>
    %shift_left3A_572 = arith.shli %xor3A_568, %shift_left3A_571 : vector<64x2600xi32>
    %shift_right_logical3A_573 = arith.constant 16 : i32
    %shift_right_logical3A_574 = vector.broadcast %shift_right_logical3A_573 : i32 to vector<64x2600xi32>
    %shift_right_logical3A_575 = arith.shrui %xor3A_568, %shift_right_logical3A_574 : vector<64x2600xi32>
    %or3A_576 = arith.ori %shift_left3A_572, %shift_right_logical3A_575 : vector<64x2600xi32>
    %xor3A_577 = arith.xori %or3A_576, %add3A_569 : vector<64x2600xi32>
    %add3A_578 = arith.addi %add3A_569, %xor3A_577 : vector<64x2600xi32>
    %shift_left3A_579 = arith.constant 24 : i32
    %shift_left3A_580 = vector.broadcast %shift_left3A_579 : i32 to vector<64x2600xi32>
    %shift_left3A_581 = arith.shli %xor3A_577, %shift_left3A_580 : vector<64x2600xi32>
    %shift_right_logical3A_582 = arith.constant 8 : i32
    %shift_right_logical3A_583 = vector.broadcast %shift_right_logical3A_582 : i32 to vector<64x2600xi32>
    %shift_right_logical3A_584 = arith.shrui %xor3A_577, %shift_right_logical3A_583 : vector<64x2600xi32>
    %or3A_585 = arith.ori %shift_left3A_581, %shift_right_logical3A_584 : vector<64x2600xi32>
    %xor3A_586 = arith.xori %or3A_585, %add3A_578 : vector<64x2600xi32>
    %add3A_587 = arith.constant -2045582813 : i32
    %add3A_588 = vector.broadcast %add3A_587 : i32 to vector<64x2600xi32>
    %add3A_589 = arith.addi %add3A_578, %add3A_588 : vector<64x2600xi32>
    %add3A_590 = arith.constant -1829035798 : i32
    %add3A_591 = arith.constant 2 : i32
    %add3A_592 = arith.addi %add3A_590, %add3A_591 : i32
    %add3A_593 = vector.broadcast %add3A_592 : i32 to vector<64x2600xi32>
    %add3A_594 = arith.addi %xor3A_586, %add3A_593 : vector<64x2600xi32>
    %add3A_595 = arith.addi %add3A_589, %add3A_594 : vector<64x2600xi32>
    %shift_left3A_596 = arith.constant 13 : i32
    %shift_left3A_597 = vector.broadcast %shift_left3A_596 : i32 to vector<64x2600xi32>
    %shift_left3A_598 = arith.shli %add3A_594, %shift_left3A_597 : vector<64x2600xi32>
    %shift_right_logical3A_599 = arith.constant 19 : i32
    %shift_right_logical3A_600 = vector.broadcast %shift_right_logical3A_599 : i32 to vector<64x2600xi32>
    %shift_right_logical3A_601 = arith.shrui %add3A_594, %shift_right_logical3A_600 : vector<64x2600xi32>
    %or3A_602 = arith.ori %shift_left3A_598, %shift_right_logical3A_601 : vector<64x2600xi32>
    %xor3A_603 = arith.xori %or3A_602, %add3A_595 : vector<64x2600xi32>
    %add3A_604 = arith.addi %add3A_595, %xor3A_603 : vector<64x2600xi32>
    %shift_left3A_605 = arith.constant 15 : i32
    %shift_left3A_606 = vector.broadcast %shift_left3A_605 : i32 to vector<64x2600xi32>
    %shift_left3A_607 = arith.shli %xor3A_603, %shift_left3A_606 : vector<64x2600xi32>
    %shift_right_logical3A_608 = arith.constant 17 : i32
    %shift_right_logical3A_609 = vector.broadcast %shift_right_logical3A_608 : i32 to vector<64x2600xi32>
    %shift_right_logical3A_610 = arith.shrui %xor3A_603, %shift_right_logical3A_609 : vector<64x2600xi32>
    %or3A_611 = arith.ori %shift_left3A_607, %shift_right_logical3A_610 : vector<64x2600xi32>
    %xor3A_612 = arith.xori %or3A_611, %add3A_604 : vector<64x2600xi32>
    %add3A_613 = arith.addi %add3A_604, %xor3A_612 : vector<64x2600xi32>
    %shift_left3A_614 = arith.constant 26 : i32
    %shift_left3A_615 = vector.broadcast %shift_left3A_614 : i32 to vector<64x2600xi32>
    %shift_left3A_616 = arith.shli %xor3A_612, %shift_left3A_615 : vector<64x2600xi32>
    %shift_right_logical3A_617 = arith.constant 6 : i32
    %shift_right_logical3A_618 = vector.broadcast %shift_right_logical3A_617 : i32 to vector<64x2600xi32>
    %shift_right_logical3A_619 = arith.shrui %xor3A_612, %shift_right_logical3A_618 : vector<64x2600xi32>
    %or3A_620 = arith.ori %shift_left3A_616, %shift_right_logical3A_619 : vector<64x2600xi32>
    %xor3A_621 = arith.xori %or3A_620, %add3A_613 : vector<64x2600xi32>
    %add3A_622 = arith.addi %add3A_613, %xor3A_621 : vector<64x2600xi32>
    %shift_left3A_623 = arith.constant 6 : i32
    %shift_left3A_624 = vector.broadcast %shift_left3A_623 : i32 to vector<64x2600xi32>
    %shift_left3A_625 = arith.shli %xor3A_621, %shift_left3A_624 : vector<64x2600xi32>
    %shift_right_logical3A_626 = arith.constant 26 : i32
    %shift_right_logical3A_627 = vector.broadcast %shift_right_logical3A_626 : i32 to vector<64x2600xi32>
    %shift_right_logical3A_628 = arith.shrui %xor3A_621, %shift_right_logical3A_627 : vector<64x2600xi32>
    %or3A_629 = arith.ori %shift_left3A_625, %shift_right_logical3A_628 : vector<64x2600xi32>
    %xor3A_630 = arith.xori %or3A_629, %add3A_622 : vector<64x2600xi32>
    %add3A_631 = arith.constant -1829035798 : i32
    %add3A_632 = vector.broadcast %add3A_631 : i32 to vector<64x2600xi32>
    %add3A_633 = arith.addi %add3A_622, %add3A_632 : vector<64x2600xi32>
    %add3A_634 = arith.constant 255383827 : i32
    %add3A_635 = arith.constant 3 : i32
    %add3A_636 = arith.addi %add3A_634, %add3A_635 : i32
    %add3A_637 = vector.broadcast %add3A_636 : i32 to vector<64x2600xi32>
    %add3A_638 = arith.addi %xor3A_630, %add3A_637 : vector<64x2600xi32>
    %add3A_639 = arith.addi %add3A_633, %add3A_638 : vector<64x2600xi32>
    %shift_left3A_640 = arith.constant 17 : i32
    %shift_left3A_641 = vector.broadcast %shift_left3A_640 : i32 to vector<64x2600xi32>
    %shift_left3A_642 = arith.shli %add3A_638, %shift_left3A_641 : vector<64x2600xi32>
    %shift_right_logical3A_643 = arith.constant 15 : i32
    %shift_right_logical3A_644 = vector.broadcast %shift_right_logical3A_643 : i32 to vector<64x2600xi32>
    %shift_right_logical3A_645 = arith.shrui %add3A_638, %shift_right_logical3A_644 : vector<64x2600xi32>
    %or3A_646 = arith.ori %shift_left3A_642, %shift_right_logical3A_645 : vector<64x2600xi32>
    %xor3A_647 = arith.xori %or3A_646, %add3A_639 : vector<64x2600xi32>
    %add3A_648 = arith.addi %add3A_639, %xor3A_647 : vector<64x2600xi32>
    %shift_left3A_649 = arith.constant 29 : i32
    %shift_left3A_650 = vector.broadcast %shift_left3A_649 : i32 to vector<64x2600xi32>
    %shift_left3A_651 = arith.shli %xor3A_647, %shift_left3A_650 : vector<64x2600xi32>
    %shift_right_logical3A_652 = arith.constant 3 : i32
    %shift_right_logical3A_653 = vector.broadcast %shift_right_logical3A_652 : i32 to vector<64x2600xi32>
    %shift_right_logical3A_654 = arith.shrui %xor3A_647, %shift_right_logical3A_653 : vector<64x2600xi32>
    %or3A_655 = arith.ori %shift_left3A_651, %shift_right_logical3A_654 : vector<64x2600xi32>
    %xor3A_656 = arith.xori %or3A_655, %add3A_648 : vector<64x2600xi32>
    %add3A_657 = arith.addi %add3A_648, %xor3A_656 : vector<64x2600xi32>
    %shift_left3A_658 = arith.constant 16 : i32
    %shift_left3A_659 = vector.broadcast %shift_left3A_658 : i32 to vector<64x2600xi32>
    %shift_left3A_660 = arith.shli %xor3A_656, %shift_left3A_659 : vector<64x2600xi32>
    %shift_right_logical3A_661 = arith.constant 16 : i32
    %shift_right_logical3A_662 = vector.broadcast %shift_right_logical3A_661 : i32 to vector<64x2600xi32>
    %shift_right_logical3A_663 = arith.shrui %xor3A_656, %shift_right_logical3A_662 : vector<64x2600xi32>
    %or3A_664 = arith.ori %shift_left3A_660, %shift_right_logical3A_663 : vector<64x2600xi32>
    %xor3A_665 = arith.xori %or3A_664, %add3A_657 : vector<64x2600xi32>
    %add3A_666 = arith.addi %add3A_657, %xor3A_665 : vector<64x2600xi32>
    %shift_left3A_667 = arith.constant 24 : i32
    %shift_left3A_668 = vector.broadcast %shift_left3A_667 : i32 to vector<64x2600xi32>
    %shift_left3A_669 = arith.shli %xor3A_665, %shift_left3A_668 : vector<64x2600xi32>
    %shift_right_logical3A_670 = arith.constant 8 : i32
    %shift_right_logical3A_671 = vector.broadcast %shift_right_logical3A_670 : i32 to vector<64x2600xi32>
    %shift_right_logical3A_672 = arith.shrui %xor3A_665, %shift_right_logical3A_671 : vector<64x2600xi32>
    %or3A_673 = arith.ori %shift_left3A_669, %shift_right_logical3A_672 : vector<64x2600xi32>
    %xor3A_674 = arith.xori %or3A_673, %add3A_666 : vector<64x2600xi32>
    %add3A_675 = arith.constant 255383827 : i32
    %add3A_676 = vector.broadcast %add3A_675 : i32 to vector<64x2600xi32>
    %add3A_677 = arith.addi %add3A_666, %add3A_676 : vector<64x2600xi32>
    %add3A_678 = arith.constant -2045582813 : i32
    %add3A_679 = arith.constant 4 : i32
    %add3A_680 = arith.addi %add3A_678, %add3A_679 : i32
    %add3A_681 = vector.broadcast %add3A_680 : i32 to vector<64x2600xi32>
    %add3A_682 = arith.addi %xor3A_674, %add3A_681 : vector<64x2600xi32>
    %add3A_683 = arith.addi %add3A_677, %add3A_682 : vector<64x2600xi32>
    %shift_left3A_684 = arith.constant 13 : i32
    %shift_left3A_685 = vector.broadcast %shift_left3A_684 : i32 to vector<64x2600xi32>
    %shift_left3A_686 = arith.shli %add3A_682, %shift_left3A_685 : vector<64x2600xi32>
    %shift_right_logical3A_687 = arith.constant 19 : i32
    %shift_right_logical3A_688 = vector.broadcast %shift_right_logical3A_687 : i32 to vector<64x2600xi32>
    %shift_right_logical3A_689 = arith.shrui %add3A_682, %shift_right_logical3A_688 : vector<64x2600xi32>
    %or3A_690 = arith.ori %shift_left3A_686, %shift_right_logical3A_689 : vector<64x2600xi32>
    %xor3A_691 = arith.xori %or3A_690, %add3A_683 : vector<64x2600xi32>
    %add3A_692 = arith.addi %add3A_683, %xor3A_691 : vector<64x2600xi32>
    %shift_left3A_693 = arith.constant 15 : i32
    %shift_left3A_694 = vector.broadcast %shift_left3A_693 : i32 to vector<64x2600xi32>
    %shift_left3A_695 = arith.shli %xor3A_691, %shift_left3A_694 : vector<64x2600xi32>
    %shift_right_logical3A_696 = arith.constant 17 : i32
    %shift_right_logical3A_697 = vector.broadcast %shift_right_logical3A_696 : i32 to vector<64x2600xi32>
    %shift_right_logical3A_698 = arith.shrui %xor3A_691, %shift_right_logical3A_697 : vector<64x2600xi32>
    %or3A_699 = arith.ori %shift_left3A_695, %shift_right_logical3A_698 : vector<64x2600xi32>
    %xor3A_700 = arith.xori %or3A_699, %add3A_692 : vector<64x2600xi32>
    %add3A_701 = arith.addi %add3A_692, %xor3A_700 : vector<64x2600xi32>
    %shift_left3A_702 = arith.constant 26 : i32
    %shift_left3A_703 = vector.broadcast %shift_left3A_702 : i32 to vector<64x2600xi32>
    %shift_left3A_704 = arith.shli %xor3A_700, %shift_left3A_703 : vector<64x2600xi32>
    %shift_right_logical3A_705 = arith.constant 6 : i32
    %shift_right_logical3A_706 = vector.broadcast %shift_right_logical3A_705 : i32 to vector<64x2600xi32>
    %shift_right_logical3A_707 = arith.shrui %xor3A_700, %shift_right_logical3A_706 : vector<64x2600xi32>
    %or3A_708 = arith.ori %shift_left3A_704, %shift_right_logical3A_707 : vector<64x2600xi32>
    %xor3A_709 = arith.xori %or3A_708, %add3A_701 : vector<64x2600xi32>
    %add3A_710 = arith.addi %add3A_701, %xor3A_709 : vector<64x2600xi32>
    %shift_left3A_711 = arith.constant 6 : i32
    %shift_left3A_712 = vector.broadcast %shift_left3A_711 : i32 to vector<64x2600xi32>
    %shift_left3A_713 = arith.shli %xor3A_709, %shift_left3A_712 : vector<64x2600xi32>
    %shift_right_logical3A_714 = arith.constant 26 : i32
    %shift_right_logical3A_715 = vector.broadcast %shift_right_logical3A_714 : i32 to vector<64x2600xi32>
    %shift_right_logical3A_716 = arith.shrui %xor3A_709, %shift_right_logical3A_715 : vector<64x2600xi32>
    %or3A_717 = arith.ori %shift_left3A_713, %shift_right_logical3A_716 : vector<64x2600xi32>
    %xor3A_718 = arith.xori %or3A_717, %add3A_710 : vector<64x2600xi32>
    %add3A_719 = arith.constant -2045582813 : i32
    %add3A_720 = vector.broadcast %add3A_719 : i32 to vector<64x2600xi32>
    %add3A_721 = arith.addi %add3A_710, %add3A_720 : vector<64x2600xi32>
    %add3A_722 = arith.constant -1829035798 : i32
    %add3A_723 = arith.constant 5 : i32
    %add3A_724 = arith.addi %add3A_722, %add3A_723 : i32
    %add3A_725 = vector.broadcast %add3A_724 : i32 to vector<64x2600xi32>
    %add3A_726 = arith.addi %xor3A_718, %add3A_725 : vector<64x2600xi32>
    %xor3A_727 = arith.xori %add3A_721, %add3A_726 : vector<64x2600xi32>
    %shift_right_logical3A_728 = arith.constant 9 : i32
    %shift_right_logical3A_729 = vector.broadcast %shift_right_logical3A_728 : i32 to vector<64x2600xi32>
    %shift_right_logical3A_730 = arith.shrui %xor3A_727, %shift_right_logical3A_729 : vector<64x2600xi32>
    %lt3A_731 = arith.constant 838861 : i32
    %lt3A_732 = vector.broadcast %lt3A_731 : i32 to vector<64x2600xi32>
    %lt3A_733 = arith.cmpi slt, %shift_right_logical3A_730, %lt3A_732 : vector<64x2600xi32>
    %convert_element_type3A_734 = arith.extui %lt3A_733 : vector<64x2600xi1> to vector<64x2600xi32>
    %convert_element_type3A_735 = arith.sitofp %convert_element_type3A_734 : vector<64x2600xi32> to vector<64x2600xf32>
    %broadcast_in_dim3A_736 = arith.constant -1160419002 : i32
    %broadcast_in_dim3A_737 = vector.broadcast %broadcast_in_dim3A_736 : i32 to vector<64x2600xi32>
    %add3A_738 = arith.constant 894150801 : i32
    %add3A_739 = vector.broadcast %add3A_738 : i32 to vector<64x2600xi32>
    %add3A_740 = arith.addi %add3A_501, %add3A_739 : vector<64x2600xi32>
    %add3A_741 = arith.addi %broadcast_in_dim3A_737, %add3A_740 : vector<64x2600xi32>
    %shift_left3A_742 = arith.constant 13 : i32
    %shift_left3A_743 = vector.broadcast %shift_left3A_742 : i32 to vector<64x2600xi32>
    %shift_left3A_744 = arith.shli %add3A_740, %shift_left3A_743 : vector<64x2600xi32>
    %shift_right_logical3A_745 = arith.constant 19 : i32
    %shift_right_logical3A_746 = vector.broadcast %shift_right_logical3A_745 : i32 to vector<64x2600xi32>
    %shift_right_logical3A_747 = arith.shrui %add3A_740, %shift_right_logical3A_746 : vector<64x2600xi32>
    %or3A_748 = arith.ori %shift_left3A_744, %shift_right_logical3A_747 : vector<64x2600xi32>
    %xor3A_749 = arith.xori %or3A_748, %add3A_741 : vector<64x2600xi32>
    %add3A_750 = arith.addi %add3A_741, %xor3A_749 : vector<64x2600xi32>
    %shift_left3A_751 = arith.constant 15 : i32
    %shift_left3A_752 = vector.broadcast %shift_left3A_751 : i32 to vector<64x2600xi32>
    %shift_left3A_753 = arith.shli %xor3A_749, %shift_left3A_752 : vector<64x2600xi32>
    %shift_right_logical3A_754 = arith.constant 17 : i32
    %shift_right_logical3A_755 = vector.broadcast %shift_right_logical3A_754 : i32 to vector<64x2600xi32>
    %shift_right_logical3A_756 = arith.shrui %xor3A_749, %shift_right_logical3A_755 : vector<64x2600xi32>
    %or3A_757 = arith.ori %shift_left3A_753, %shift_right_logical3A_756 : vector<64x2600xi32>
    %xor3A_758 = arith.xori %or3A_757, %add3A_750 : vector<64x2600xi32>
    %add3A_759 = arith.addi %add3A_750, %xor3A_758 : vector<64x2600xi32>
    %shift_left3A_760 = arith.constant 26 : i32
    %shift_left3A_761 = vector.broadcast %shift_left3A_760 : i32 to vector<64x2600xi32>
    %shift_left3A_762 = arith.shli %xor3A_758, %shift_left3A_761 : vector<64x2600xi32>
    %shift_right_logical3A_763 = arith.constant 6 : i32
    %shift_right_logical3A_764 = vector.broadcast %shift_right_logical3A_763 : i32 to vector<64x2600xi32>
    %shift_right_logical3A_765 = arith.shrui %xor3A_758, %shift_right_logical3A_764 : vector<64x2600xi32>
    %or3A_766 = arith.ori %shift_left3A_762, %shift_right_logical3A_765 : vector<64x2600xi32>
    %xor3A_767 = arith.xori %or3A_766, %add3A_759 : vector<64x2600xi32>
    %add3A_768 = arith.addi %add3A_759, %xor3A_767 : vector<64x2600xi32>
    %shift_left3A_769 = arith.constant 6 : i32
    %shift_left3A_770 = vector.broadcast %shift_left3A_769 : i32 to vector<64x2600xi32>
    %shift_left3A_771 = arith.shli %xor3A_767, %shift_left3A_770 : vector<64x2600xi32>
    %shift_right_logical3A_772 = arith.constant 26 : i32
    %shift_right_logical3A_773 = vector.broadcast %shift_right_logical3A_772 : i32 to vector<64x2600xi32>
    %shift_right_logical3A_774 = arith.shrui %xor3A_767, %shift_right_logical3A_773 : vector<64x2600xi32>
    %or3A_775 = arith.ori %shift_left3A_771, %shift_right_logical3A_774 : vector<64x2600xi32>
    %xor3A_776 = arith.xori %or3A_775, %add3A_768 : vector<64x2600xi32>
    %add3A_777 = arith.constant 894150801 : i32
    %add3A_778 = vector.broadcast %add3A_777 : i32 to vector<64x2600xi32>
    %add3A_779 = arith.addi %add3A_768, %add3A_778 : vector<64x2600xi32>
    %add3A_780 = arith.constant -1806706163 : i32
    %add3A_781 = arith.constant 1 : i32
    %add3A_782 = arith.addi %add3A_780, %add3A_781 : i32
    %add3A_783 = vector.broadcast %add3A_782 : i32 to vector<64x2600xi32>
    %add3A_784 = arith.addi %xor3A_776, %add3A_783 : vector<64x2600xi32>
    %add3A_785 = arith.addi %add3A_779, %add3A_784 : vector<64x2600xi32>
    %shift_left3A_786 = arith.constant 17 : i32
    %shift_left3A_787 = vector.broadcast %shift_left3A_786 : i32 to vector<64x2600xi32>
    %shift_left3A_788 = arith.shli %add3A_784, %shift_left3A_787 : vector<64x2600xi32>
    %shift_right_logical3A_789 = arith.constant 15 : i32
    %shift_right_logical3A_790 = vector.broadcast %shift_right_logical3A_789 : i32 to vector<64x2600xi32>
    %shift_right_logical3A_791 = arith.shrui %add3A_784, %shift_right_logical3A_790 : vector<64x2600xi32>
    %or3A_792 = arith.ori %shift_left3A_788, %shift_right_logical3A_791 : vector<64x2600xi32>
    %xor3A_793 = arith.xori %or3A_792, %add3A_785 : vector<64x2600xi32>
    %add3A_794 = arith.addi %add3A_785, %xor3A_793 : vector<64x2600xi32>
    %shift_left3A_795 = arith.constant 29 : i32
    %shift_left3A_796 = vector.broadcast %shift_left3A_795 : i32 to vector<64x2600xi32>
    %shift_left3A_797 = arith.shli %xor3A_793, %shift_left3A_796 : vector<64x2600xi32>
    %shift_right_logical3A_798 = arith.constant 3 : i32
    %shift_right_logical3A_799 = vector.broadcast %shift_right_logical3A_798 : i32 to vector<64x2600xi32>
    %shift_right_logical3A_800 = arith.shrui %xor3A_793, %shift_right_logical3A_799 : vector<64x2600xi32>
    %or3A_801 = arith.ori %shift_left3A_797, %shift_right_logical3A_800 : vector<64x2600xi32>
    %xor3A_802 = arith.xori %or3A_801, %add3A_794 : vector<64x2600xi32>
    %add3A_803 = arith.addi %add3A_794, %xor3A_802 : vector<64x2600xi32>
    %shift_left3A_804 = arith.constant 16 : i32
    %shift_left3A_805 = vector.broadcast %shift_left3A_804 : i32 to vector<64x2600xi32>
    %shift_left3A_806 = arith.shli %xor3A_802, %shift_left3A_805 : vector<64x2600xi32>
    %shift_right_logical3A_807 = arith.constant 16 : i32
    %shift_right_logical3A_808 = vector.broadcast %shift_right_logical3A_807 : i32 to vector<64x2600xi32>
    %shift_right_logical3A_809 = arith.shrui %xor3A_802, %shift_right_logical3A_808 : vector<64x2600xi32>
    %or3A_810 = arith.ori %shift_left3A_806, %shift_right_logical3A_809 : vector<64x2600xi32>
    %xor3A_811 = arith.xori %or3A_810, %add3A_803 : vector<64x2600xi32>
    %add3A_812 = arith.addi %add3A_803, %xor3A_811 : vector<64x2600xi32>
    %shift_left3A_813 = arith.constant 24 : i32
    %shift_left3A_814 = vector.broadcast %shift_left3A_813 : i32 to vector<64x2600xi32>
    %shift_left3A_815 = arith.shli %xor3A_811, %shift_left3A_814 : vector<64x2600xi32>
    %shift_right_logical3A_816 = arith.constant 8 : i32
    %shift_right_logical3A_817 = vector.broadcast %shift_right_logical3A_816 : i32 to vector<64x2600xi32>
    %shift_right_logical3A_818 = arith.shrui %xor3A_811, %shift_right_logical3A_817 : vector<64x2600xi32>
    %or3A_819 = arith.ori %shift_left3A_815, %shift_right_logical3A_818 : vector<64x2600xi32>
    %xor3A_820 = arith.xori %or3A_819, %add3A_812 : vector<64x2600xi32>
    %add3A_821 = arith.constant -1806706163 : i32
    %add3A_822 = vector.broadcast %add3A_821 : i32 to vector<64x2600xi32>
    %add3A_823 = arith.addi %add3A_812, %add3A_822 : vector<64x2600xi32>
    %add3A_824 = arith.constant -1160419002 : i32
    %add3A_825 = arith.constant 2 : i32
    %add3A_826 = arith.addi %add3A_824, %add3A_825 : i32
    %add3A_827 = vector.broadcast %add3A_826 : i32 to vector<64x2600xi32>
    %add3A_828 = arith.addi %xor3A_820, %add3A_827 : vector<64x2600xi32>
    %add3A_829 = arith.addi %add3A_823, %add3A_828 : vector<64x2600xi32>
    %shift_left3A_830 = arith.constant 13 : i32
    %shift_left3A_831 = vector.broadcast %shift_left3A_830 : i32 to vector<64x2600xi32>
    %shift_left3A_832 = arith.shli %add3A_828, %shift_left3A_831 : vector<64x2600xi32>
    %shift_right_logical3A_833 = arith.constant 19 : i32
    %shift_right_logical3A_834 = vector.broadcast %shift_right_logical3A_833 : i32 to vector<64x2600xi32>
    %shift_right_logical3A_835 = arith.shrui %add3A_828, %shift_right_logical3A_834 : vector<64x2600xi32>
    %or3A_836 = arith.ori %shift_left3A_832, %shift_right_logical3A_835 : vector<64x2600xi32>
    %xor3A_837 = arith.xori %or3A_836, %add3A_829 : vector<64x2600xi32>
    %add3A_838 = arith.addi %add3A_829, %xor3A_837 : vector<64x2600xi32>
    %shift_left3A_839 = arith.constant 15 : i32
    %shift_left3A_840 = vector.broadcast %shift_left3A_839 : i32 to vector<64x2600xi32>
    %shift_left3A_841 = arith.shli %xor3A_837, %shift_left3A_840 : vector<64x2600xi32>
    %shift_right_logical3A_842 = arith.constant 17 : i32
    %shift_right_logical3A_843 = vector.broadcast %shift_right_logical3A_842 : i32 to vector<64x2600xi32>
    %shift_right_logical3A_844 = arith.shrui %xor3A_837, %shift_right_logical3A_843 : vector<64x2600xi32>
    %or3A_845 = arith.ori %shift_left3A_841, %shift_right_logical3A_844 : vector<64x2600xi32>
    %xor3A_846 = arith.xori %or3A_845, %add3A_838 : vector<64x2600xi32>
    %add3A_847 = arith.addi %add3A_838, %xor3A_846 : vector<64x2600xi32>
    %shift_left3A_848 = arith.constant 26 : i32
    %shift_left3A_849 = vector.broadcast %shift_left3A_848 : i32 to vector<64x2600xi32>
    %shift_left3A_850 = arith.shli %xor3A_846, %shift_left3A_849 : vector<64x2600xi32>
    %shift_right_logical3A_851 = arith.constant 6 : i32
    %shift_right_logical3A_852 = vector.broadcast %shift_right_logical3A_851 : i32 to vector<64x2600xi32>
    %shift_right_logical3A_853 = arith.shrui %xor3A_846, %shift_right_logical3A_852 : vector<64x2600xi32>
    %or3A_854 = arith.ori %shift_left3A_850, %shift_right_logical3A_853 : vector<64x2600xi32>
    %xor3A_855 = arith.xori %or3A_854, %add3A_847 : vector<64x2600xi32>
    %add3A_856 = arith.addi %add3A_847, %xor3A_855 : vector<64x2600xi32>
    %shift_left3A_857 = arith.constant 6 : i32
    %shift_left3A_858 = vector.broadcast %shift_left3A_857 : i32 to vector<64x2600xi32>
    %shift_left3A_859 = arith.shli %xor3A_855, %shift_left3A_858 : vector<64x2600xi32>
    %shift_right_logical3A_860 = arith.constant 26 : i32
    %shift_right_logical3A_861 = vector.broadcast %shift_right_logical3A_860 : i32 to vector<64x2600xi32>
    %shift_right_logical3A_862 = arith.shrui %xor3A_855, %shift_right_logical3A_861 : vector<64x2600xi32>
    %or3A_863 = arith.ori %shift_left3A_859, %shift_right_logical3A_862 : vector<64x2600xi32>
    %xor3A_864 = arith.xori %or3A_863, %add3A_856 : vector<64x2600xi32>
    %add3A_865 = arith.constant -1160419002 : i32
    %add3A_866 = vector.broadcast %add3A_865 : i32 to vector<64x2600xi32>
    %add3A_867 = arith.addi %add3A_856, %add3A_866 : vector<64x2600xi32>
    %add3A_868 = arith.constant 894150801 : i32
    %add3A_869 = arith.constant 3 : i32
    %add3A_870 = arith.addi %add3A_868, %add3A_869 : i32
    %add3A_871 = vector.broadcast %add3A_870 : i32 to vector<64x2600xi32>
    %add3A_872 = arith.addi %xor3A_864, %add3A_871 : vector<64x2600xi32>
    %add3A_873 = arith.addi %add3A_867, %add3A_872 : vector<64x2600xi32>
    %shift_left3A_874 = arith.constant 17 : i32
    %shift_left3A_875 = vector.broadcast %shift_left3A_874 : i32 to vector<64x2600xi32>
    %shift_left3A_876 = arith.shli %add3A_872, %shift_left3A_875 : vector<64x2600xi32>
    %shift_right_logical3A_877 = arith.constant 15 : i32
    %shift_right_logical3A_878 = vector.broadcast %shift_right_logical3A_877 : i32 to vector<64x2600xi32>
    %shift_right_logical3A_879 = arith.shrui %add3A_872, %shift_right_logical3A_878 : vector<64x2600xi32>
    %or3A_880 = arith.ori %shift_left3A_876, %shift_right_logical3A_879 : vector<64x2600xi32>
    %xor3A_881 = arith.xori %or3A_880, %add3A_873 : vector<64x2600xi32>
    %add3A_882 = arith.addi %add3A_873, %xor3A_881 : vector<64x2600xi32>
    %shift_left3A_883 = arith.constant 29 : i32
    %shift_left3A_884 = vector.broadcast %shift_left3A_883 : i32 to vector<64x2600xi32>
    %shift_left3A_885 = arith.shli %xor3A_881, %shift_left3A_884 : vector<64x2600xi32>
    %shift_right_logical3A_886 = arith.constant 3 : i32
    %shift_right_logical3A_887 = vector.broadcast %shift_right_logical3A_886 : i32 to vector<64x2600xi32>
    %shift_right_logical3A_888 = arith.shrui %xor3A_881, %shift_right_logical3A_887 : vector<64x2600xi32>
    %or3A_889 = arith.ori %shift_left3A_885, %shift_right_logical3A_888 : vector<64x2600xi32>
    %xor3A_890 = arith.xori %or3A_889, %add3A_882 : vector<64x2600xi32>
    %add3A_891 = arith.addi %add3A_882, %xor3A_890 : vector<64x2600xi32>
    %shift_left3A_892 = arith.constant 16 : i32
    %shift_left3A_893 = vector.broadcast %shift_left3A_892 : i32 to vector<64x2600xi32>
    %shift_left3A_894 = arith.shli %xor3A_890, %shift_left3A_893 : vector<64x2600xi32>
    %shift_right_logical3A_895 = arith.constant 16 : i32
    %shift_right_logical3A_896 = vector.broadcast %shift_right_logical3A_895 : i32 to vector<64x2600xi32>
    %shift_right_logical3A_897 = arith.shrui %xor3A_890, %shift_right_logical3A_896 : vector<64x2600xi32>
    %or3A_898 = arith.ori %shift_left3A_894, %shift_right_logical3A_897 : vector<64x2600xi32>
    %xor3A_899 = arith.xori %or3A_898, %add3A_891 : vector<64x2600xi32>
    %add3A_900 = arith.addi %add3A_891, %xor3A_899 : vector<64x2600xi32>
    %shift_left3A_901 = arith.constant 24 : i32
    %shift_left3A_902 = vector.broadcast %shift_left3A_901 : i32 to vector<64x2600xi32>
    %shift_left3A_903 = arith.shli %xor3A_899, %shift_left3A_902 : vector<64x2600xi32>
    %shift_right_logical3A_904 = arith.constant 8 : i32
    %shift_right_logical3A_905 = vector.broadcast %shift_right_logical3A_904 : i32 to vector<64x2600xi32>
    %shift_right_logical3A_906 = arith.shrui %xor3A_899, %shift_right_logical3A_905 : vector<64x2600xi32>
    %or3A_907 = arith.ori %shift_left3A_903, %shift_right_logical3A_906 : vector<64x2600xi32>
    %xor3A_908 = arith.xori %or3A_907, %add3A_900 : vector<64x2600xi32>
    %add3A_909 = arith.constant 894150801 : i32
    %add3A_910 = vector.broadcast %add3A_909 : i32 to vector<64x2600xi32>
    %add3A_911 = arith.addi %add3A_900, %add3A_910 : vector<64x2600xi32>
    %add3A_912 = arith.constant -1806706163 : i32
    %add3A_913 = arith.constant 4 : i32
    %add3A_914 = arith.addi %add3A_912, %add3A_913 : i32
    %add3A_915 = vector.broadcast %add3A_914 : i32 to vector<64x2600xi32>
    %add3A_916 = arith.addi %xor3A_908, %add3A_915 : vector<64x2600xi32>
    %add3A_917 = arith.addi %add3A_911, %add3A_916 : vector<64x2600xi32>
    %shift_left3A_918 = arith.constant 13 : i32
    %shift_left3A_919 = vector.broadcast %shift_left3A_918 : i32 to vector<64x2600xi32>
    %shift_left3A_920 = arith.shli %add3A_916, %shift_left3A_919 : vector<64x2600xi32>
    %shift_right_logical3A_921 = arith.constant 19 : i32
    %shift_right_logical3A_922 = vector.broadcast %shift_right_logical3A_921 : i32 to vector<64x2600xi32>
    %shift_right_logical3A_923 = arith.shrui %add3A_916, %shift_right_logical3A_922 : vector<64x2600xi32>
    %or3A_924 = arith.ori %shift_left3A_920, %shift_right_logical3A_923 : vector<64x2600xi32>
    %xor3A_925 = arith.xori %or3A_924, %add3A_917 : vector<64x2600xi32>
    %add3A_926 = arith.addi %add3A_917, %xor3A_925 : vector<64x2600xi32>
    %shift_left3A_927 = arith.constant 15 : i32
    %shift_left3A_928 = vector.broadcast %shift_left3A_927 : i32 to vector<64x2600xi32>
    %shift_left3A_929 = arith.shli %xor3A_925, %shift_left3A_928 : vector<64x2600xi32>
    %shift_right_logical3A_930 = arith.constant 17 : i32
    %shift_right_logical3A_931 = vector.broadcast %shift_right_logical3A_930 : i32 to vector<64x2600xi32>
    %shift_right_logical3A_932 = arith.shrui %xor3A_925, %shift_right_logical3A_931 : vector<64x2600xi32>
    %or3A_933 = arith.ori %shift_left3A_929, %shift_right_logical3A_932 : vector<64x2600xi32>
    %xor3A_934 = arith.xori %or3A_933, %add3A_926 : vector<64x2600xi32>
    %add3A_935 = arith.addi %add3A_926, %xor3A_934 : vector<64x2600xi32>
    %shift_left3A_936 = arith.constant 26 : i32
    %shift_left3A_937 = vector.broadcast %shift_left3A_936 : i32 to vector<64x2600xi32>
    %shift_left3A_938 = arith.shli %xor3A_934, %shift_left3A_937 : vector<64x2600xi32>
    %shift_right_logical3A_939 = arith.constant 6 : i32
    %shift_right_logical3A_940 = vector.broadcast %shift_right_logical3A_939 : i32 to vector<64x2600xi32>
    %shift_right_logical3A_941 = arith.shrui %xor3A_934, %shift_right_logical3A_940 : vector<64x2600xi32>
    %or3A_942 = arith.ori %shift_left3A_938, %shift_right_logical3A_941 : vector<64x2600xi32>
    %xor3A_943 = arith.xori %or3A_942, %add3A_935 : vector<64x2600xi32>
    %add3A_944 = arith.addi %add3A_935, %xor3A_943 : vector<64x2600xi32>
    %shift_left3A_945 = arith.constant 6 : i32
    %shift_left3A_946 = vector.broadcast %shift_left3A_945 : i32 to vector<64x2600xi32>
    %shift_left3A_947 = arith.shli %xor3A_943, %shift_left3A_946 : vector<64x2600xi32>
    %shift_right_logical3A_948 = arith.constant 26 : i32
    %shift_right_logical3A_949 = vector.broadcast %shift_right_logical3A_948 : i32 to vector<64x2600xi32>
    %shift_right_logical3A_950 = arith.shrui %xor3A_943, %shift_right_logical3A_949 : vector<64x2600xi32>
    %or3A_951 = arith.ori %shift_left3A_947, %shift_right_logical3A_950 : vector<64x2600xi32>
    %xor3A_952 = arith.xori %or3A_951, %add3A_944 : vector<64x2600xi32>
    %add3A_953 = arith.constant -1806706163 : i32
    %add3A_954 = vector.broadcast %add3A_953 : i32 to vector<64x2600xi32>
    %add3A_955 = arith.addi %add3A_944, %add3A_954 : vector<64x2600xi32>
    %add3A_956 = arith.constant -1160419002 : i32
    %add3A_957 = arith.constant 5 : i32
    %add3A_958 = arith.addi %add3A_956, %add3A_957 : i32
    %add3A_959 = vector.broadcast %add3A_958 : i32 to vector<64x2600xi32>
    %add3A_960 = arith.addi %xor3A_952, %add3A_959 : vector<64x2600xi32>
    %xor3A_961 = arith.xori %add3A_955, %add3A_960 : vector<64x2600xi32>
    %shift_right_logical3A_962 = arith.constant 9 : i32
    %shift_right_logical3A_963 = vector.broadcast %shift_right_logical3A_962 : i32 to vector<64x2600xi32>
    %shift_right_logical3A_964 = arith.shrui %xor3A_961, %shift_right_logical3A_963 : vector<64x2600xi32>
    %or3A_965 = arith.constant 1065353216 : i32
    %or3A_966 = vector.broadcast %or3A_965 : i32 to vector<64x2600xi32>
    %or3A_967 = arith.ori %shift_right_logical3A_964, %or3A_966 : vector<64x2600xi32>
    %bitcast_convert_type3A = tpu.bitcast %or3A_967 : vector<64x2600xi32> -> vector<64x2600xf32>
    %sub3A_968 = arith.constant 1.000000e+00 : f32
    %sub3A_969 = vector.broadcast %sub3A_968 : f32 to vector<64x2600xf32>
    %sub3A_970 = arith.subf %bitcast_convert_type3A, %sub3A_969 : vector<64x2600xf32>
    %mul3A_971 = arith.constant 2.000000e+00 : f32
    %mul3A_972 = vector.broadcast %mul3A_971 : f32 to vector<64x2600xf32>
    %mul3A_973 = arith.mulf %sub3A_970, %mul3A_972 : vector<64x2600xf32>
    %add3A_974 = arith.constant -0.99999994 : f32
    %add3A_975 = vector.broadcast %add3A_974 : f32 to vector<64x2600xf32>
    %add3A_976 = arith.addf %mul3A_973, %add3A_975 : vector<64x2600xf32>
    %max3A = arith.constant -0.99999994 : f32
    %max3A_977 = vector.broadcast %max3A : f32 to vector<64x2600xf32>
    %max3A_978 = arith.maximumf %max3A_977, %add3A_976 : vector<64x2600xf32>
    %neg3A = arith.constant 0.000000e+00 : f32
    %neg3A_979 = vector.broadcast %neg3A : f32 to vector<64x2600xf32>
    %neg3A_980 = arith.subf %neg3A_979, %max3A_978 : vector<64x2600xf32>
    %mul3A_981 = arith.mulf %neg3A_980, %max3A_978 : vector<64x2600xf32>
    %log1p3A = math.log1p %mul3A_981 : vector<64x2600xf32>
    %neg3A_982 = arith.constant 0.000000e+00 : f32
    %neg3A_983 = vector.broadcast %neg3A_982 : f32 to vector<64x2600xf32>
    %neg3A_984 = arith.subf %neg3A_983, %log1p3A : vector<64x2600xf32>
    %lt3A_985 = arith.constant 5.000000e+00 : f32
    %lt3A_986 = vector.broadcast %lt3A_985 : f32 to vector<64x2600xf32>
    %lt3A_987 = arith.cmpf olt, %neg3A_984, %lt3A_986 : vector<64x2600xf32>
    %sub3A_988 = arith.constant 2.500000e+00 : f32
    %sub3A_989 = vector.broadcast %sub3A_988 : f32 to vector<64x2600xf32>
    %sub3A_990 = arith.subf %neg3A_984, %sub3A_989 : vector<64x2600xf32>
    %max3A_991 = arith.constant 5.000000e+00 : f32
    %max3A_992 = vector.broadcast %max3A_991 : f32 to vector<64x2600xf32>
    %max3A_993 = arith.maximumf %neg3A_984, %max3A_992 : vector<64x2600xf32>
    %sqrt3A = math.sqrt %max3A_993 : vector<64x2600xf32>
    %sub3A_994 = arith.constant 3.000000e+00 : f32
    %sub3A_995 = vector.broadcast %sub3A_994 : f32 to vector<64x2600xf32>
    %sub3A_996 = arith.subf %sqrt3A, %sub3A_995 : vector<64x2600xf32>
    %mul3A_997 = arith.constant 2.81022636E-8 : f32
    %mul3A_998 = vector.broadcast %mul3A_997 : f32 to vector<64x2600xf32>
    %mul3A_999 = arith.mulf %mul3A_998, %sub3A_990 : vector<64x2600xf32>
    %add3A_1000 = arith.constant 3.43273939E-7 : f32
    %add3A_1001 = vector.broadcast %add3A_1000 : f32 to vector<64x2600xf32>
    %add3A_1002 = arith.addf %mul3A_999, %add3A_1001 : vector<64x2600xf32>
    %mul3A_1003 = arith.mulf %add3A_1002, %sub3A_990 : vector<64x2600xf32>
    %add3A_1004 = arith.constant -3.5233877E-6 : f32
    %add3A_1005 = vector.broadcast %add3A_1004 : f32 to vector<64x2600xf32>
    %add3A_1006 = arith.addf %mul3A_1003, %add3A_1005 : vector<64x2600xf32>
    %mul3A_1007 = arith.mulf %add3A_1006, %sub3A_990 : vector<64x2600xf32>
    %add3A_1008 = arith.constant -4.39150654E-6 : f32
    %add3A_1009 = vector.broadcast %add3A_1008 : f32 to vector<64x2600xf32>
    %add3A_1010 = arith.addf %mul3A_1007, %add3A_1009 : vector<64x2600xf32>
    %mul3A_1011 = arith.mulf %add3A_1010, %sub3A_990 : vector<64x2600xf32>
    %add3A_1012 = arith.constant 2.1858087E-4 : f32
    %add3A_1013 = vector.broadcast %add3A_1012 : f32 to vector<64x2600xf32>
    %add3A_1014 = arith.addf %mul3A_1011, %add3A_1013 : vector<64x2600xf32>
    %mul3A_1015 = arith.mulf %add3A_1014, %sub3A_990 : vector<64x2600xf32>
    %add3A_1016 = arith.constant -0.00125372503 : f32
    %add3A_1017 = vector.broadcast %add3A_1016 : f32 to vector<64x2600xf32>
    %add3A_1018 = arith.addf %mul3A_1015, %add3A_1017 : vector<64x2600xf32>
    %mul3A_1019 = arith.mulf %add3A_1018, %sub3A_990 : vector<64x2600xf32>
    %add3A_1020 = arith.constant -0.00417768164 : f32
    %add3A_1021 = vector.broadcast %add3A_1020 : f32 to vector<64x2600xf32>
    %add3A_1022 = arith.addf %mul3A_1019, %add3A_1021 : vector<64x2600xf32>
    %mul3A_1023 = arith.mulf %add3A_1022, %sub3A_990 : vector<64x2600xf32>
    %add3A_1024 = arith.constant 0.246640727 : f32
    %add3A_1025 = vector.broadcast %add3A_1024 : f32 to vector<64x2600xf32>
    %add3A_1026 = arith.addf %mul3A_1023, %add3A_1025 : vector<64x2600xf32>
    %mul3A_1027 = arith.mulf %add3A_1026, %sub3A_990 : vector<64x2600xf32>
    %add3A_1028 = arith.constant 1.50140941 : f32
    %add3A_1029 = vector.broadcast %add3A_1028 : f32 to vector<64x2600xf32>
    %add3A_1030 = arith.addf %mul3A_1027, %add3A_1029 : vector<64x2600xf32>
    %mul3A_1031 = arith.constant -2.00214257E-4 : f32
    %mul3A_1032 = vector.broadcast %mul3A_1031 : f32 to vector<64x2600xf32>
    %mul3A_1033 = arith.mulf %mul3A_1032, %sub3A_996 : vector<64x2600xf32>
    %add3A_1034 = arith.constant 1.00950558E-4 : f32
    %add3A_1035 = vector.broadcast %add3A_1034 : f32 to vector<64x2600xf32>
    %add3A_1036 = arith.addf %mul3A_1033, %add3A_1035 : vector<64x2600xf32>
    %mul3A_1037 = arith.mulf %add3A_1036, %sub3A_996 : vector<64x2600xf32>
    %add3A_1038 = arith.constant 0.00134934322 : f32
    %add3A_1039 = vector.broadcast %add3A_1038 : f32 to vector<64x2600xf32>
    %add3A_1040 = arith.addf %mul3A_1037, %add3A_1039 : vector<64x2600xf32>
    %mul3A_1041 = arith.mulf %add3A_1040, %sub3A_996 : vector<64x2600xf32>
    %add3A_1042 = arith.constant -0.00367342844 : f32
    %add3A_1043 = vector.broadcast %add3A_1042 : f32 to vector<64x2600xf32>
    %add3A_1044 = arith.addf %mul3A_1041, %add3A_1043 : vector<64x2600xf32>
    %mul3A_1045 = arith.mulf %add3A_1044, %sub3A_996 : vector<64x2600xf32>
    %add3A_1046 = arith.constant 0.00573950773 : f32
    %add3A_1047 = vector.broadcast %add3A_1046 : f32 to vector<64x2600xf32>
    %add3A_1048 = arith.addf %mul3A_1045, %add3A_1047 : vector<64x2600xf32>
    %mul3A_1049 = arith.mulf %add3A_1048, %sub3A_996 : vector<64x2600xf32>
    %add3A_1050 = arith.constant -0.0076224613 : f32
    %add3A_1051 = vector.broadcast %add3A_1050 : f32 to vector<64x2600xf32>
    %add3A_1052 = arith.addf %mul3A_1049, %add3A_1051 : vector<64x2600xf32>
    %mul3A_1053 = arith.mulf %add3A_1052, %sub3A_996 : vector<64x2600xf32>
    %add3A_1054 = arith.constant 0.00943887047 : f32
    %add3A_1055 = vector.broadcast %add3A_1054 : f32 to vector<64x2600xf32>
    %add3A_1056 = arith.addf %mul3A_1053, %add3A_1055 : vector<64x2600xf32>
    %mul3A_1057 = arith.mulf %add3A_1056, %sub3A_996 : vector<64x2600xf32>
    %add3A_1058 = arith.constant 1.00167406 : f32
    %add3A_1059 = vector.broadcast %add3A_1058 : f32 to vector<64x2600xf32>
    %add3A_1060 = arith.addf %mul3A_1057, %add3A_1059 : vector<64x2600xf32>
    %mul3A_1061 = arith.mulf %add3A_1060, %sub3A_996 : vector<64x2600xf32>
    %add3A_1062 = arith.constant 2.83297682 : f32
    %add3A_1063 = vector.broadcast %add3A_1062 : f32 to vector<64x2600xf32>
    %add3A_1064 = arith.addf %mul3A_1061, %add3A_1063 : vector<64x2600xf32>
    %select_n3A_1065 = arith.select %lt3A_987, %add3A_1030, %add3A_1064 : vector<64x2600xi1>, vector<64x2600xf32>
    %mul3A_1066 = arith.mulf %select_n3A_1065, %max3A_978 : vector<64x2600xf32>
    %mul3A_1067 = arith.constant 1.41421354 : f32
    %mul3A_1068 = vector.broadcast %mul3A_1067 : f32 to vector<64x2600xf32>
    %mul3A_1069 = arith.mulf %mul3A_1068, %mul3A_1066 : vector<64x2600xf32>
    %get3A_1070 = arith.constant 0 : index
    %get3A_1071 = arith.constant 0 : index
    %get3A_1072 = vector.load %arg2[%get3A_1070, %get3A_1071] : memref<64x2600xf32, #tpu.memory_space<vmem>>, vector<64x2600xf32>
    %mul3A_1073 = arith.mulf %mul3A_1069, %convert_element_type3A_735 : vector<64x2600xf32>
    %add3A_1074 = arith.addf %get3A_1072, %mul3A_1073 : vector<64x2600xf32>
    %iota3A = tpu.iota {dimensions = array<i32: 1>} : vector<64x200xi32>
    %get3A_1075 = arith.constant 0 : index
    %get3A_1076 = arith.constant 0 : index
    %get3A_1077 = vector.load %arg9[%get3A_1075, %get3A_1076] : memref<64x200xi32, #tpu.memory_space<vmem>>, vector<64x200xi32>
    %mul3A_1078 = arith.constant 200 : i32
    %mul3A_1079 = arith.muli %mul3A_0, %mul3A_1078 : i32
    %add3A_1080 = vector.broadcast %mul3A_1079 : i32 to vector<64x200xi32>
    %add3A_1081 = arith.addi %get3A_1077, %add3A_1080 : vector<64x200xi32>
    %broadcast_in_dim3A_1082 = arith.constant -1340887325 : i32
    %broadcast_in_dim3A_1083 = vector.broadcast %broadcast_in_dim3A_1082 : i32 to vector<64x200xi32>
    %add3A_1084 = arith.constant -1018241546 : i32
    %add3A_1085 = vector.broadcast %add3A_1084 : i32 to vector<64x200xi32>
    %add3A_1086 = arith.addi %add3A_1081, %add3A_1085 : vector<64x200xi32>
    %add3A_1087 = arith.addi %broadcast_in_dim3A_1083, %add3A_1086 : vector<64x200xi32>
    %shift_left3A_1088 = arith.constant 13 : i32
    %shift_left3A_1089 = vector.broadcast %shift_left3A_1088 : i32 to vector<64x200xi32>
    %shift_left3A_1090 = arith.shli %add3A_1086, %shift_left3A_1089 : vector<64x200xi32>
    %shift_right_logical3A_1091 = arith.constant 19 : i32
    %shift_right_logical3A_1092 = vector.broadcast %shift_right_logical3A_1091 : i32 to vector<64x200xi32>
    %shift_right_logical3A_1093 = arith.shrui %add3A_1086, %shift_right_logical3A_1092 : vector<64x200xi32>
    %or3A_1094 = arith.ori %shift_left3A_1090, %shift_right_logical3A_1093 : vector<64x200xi32>
    %xor3A_1095 = arith.xori %or3A_1094, %add3A_1087 : vector<64x200xi32>
    %add3A_1096 = arith.addi %add3A_1087, %xor3A_1095 : vector<64x200xi32>
    %shift_left3A_1097 = arith.constant 15 : i32
    %shift_left3A_1098 = vector.broadcast %shift_left3A_1097 : i32 to vector<64x200xi32>
    %shift_left3A_1099 = arith.shli %xor3A_1095, %shift_left3A_1098 : vector<64x200xi32>
    %shift_right_logical3A_1100 = arith.constant 17 : i32
    %shift_right_logical3A_1101 = vector.broadcast %shift_right_logical3A_1100 : i32 to vector<64x200xi32>
    %shift_right_logical3A_1102 = arith.shrui %xor3A_1095, %shift_right_logical3A_1101 : vector<64x200xi32>
    %or3A_1103 = arith.ori %shift_left3A_1099, %shift_right_logical3A_1102 : vector<64x200xi32>
    %xor3A_1104 = arith.xori %or3A_1103, %add3A_1096 : vector<64x200xi32>
    %add3A_1105 = arith.addi %add3A_1096, %xor3A_1104 : vector<64x200xi32>
    %shift_left3A_1106 = arith.constant 26 : i32
    %shift_left3A_1107 = vector.broadcast %shift_left3A_1106 : i32 to vector<64x200xi32>
    %shift_left3A_1108 = arith.shli %xor3A_1104, %shift_left3A_1107 : vector<64x200xi32>
    %shift_right_logical3A_1109 = arith.constant 6 : i32
    %shift_right_logical3A_1110 = vector.broadcast %shift_right_logical3A_1109 : i32 to vector<64x200xi32>
    %shift_right_logical3A_1111 = arith.shrui %xor3A_1104, %shift_right_logical3A_1110 : vector<64x200xi32>
    %or3A_1112 = arith.ori %shift_left3A_1108, %shift_right_logical3A_1111 : vector<64x200xi32>
    %xor3A_1113 = arith.xori %or3A_1112, %add3A_1105 : vector<64x200xi32>
    %add3A_1114 = arith.addi %add3A_1105, %xor3A_1113 : vector<64x200xi32>
    %shift_left3A_1115 = arith.constant 6 : i32
    %shift_left3A_1116 = vector.broadcast %shift_left3A_1115 : i32 to vector<64x200xi32>
    %shift_left3A_1117 = arith.shli %xor3A_1113, %shift_left3A_1116 : vector<64x200xi32>
    %shift_right_logical3A_1118 = arith.constant 26 : i32
    %shift_right_logical3A_1119 = vector.broadcast %shift_right_logical3A_1118 : i32 to vector<64x200xi32>
    %shift_right_logical3A_1120 = arith.shrui %xor3A_1113, %shift_right_logical3A_1119 : vector<64x200xi32>
    %or3A_1121 = arith.ori %shift_left3A_1117, %shift_right_logical3A_1120 : vector<64x200xi32>
    %xor3A_1122 = arith.xori %or3A_1121, %add3A_1114 : vector<64x200xi32>
    %add3A_1123 = arith.constant -1018241546 : i32
    %add3A_1124 = vector.broadcast %add3A_1123 : i32 to vector<64x200xi32>
    %add3A_1125 = arith.addi %add3A_1114, %add3A_1124 : vector<64x200xi32>
    %add3A_1126 = arith.constant 1754032335 : i32
    %add3A_1127 = arith.constant 1 : i32
    %add3A_1128 = arith.addi %add3A_1126, %add3A_1127 : i32
    %add3A_1129 = vector.broadcast %add3A_1128 : i32 to vector<64x200xi32>
    %add3A_1130 = arith.addi %xor3A_1122, %add3A_1129 : vector<64x200xi32>
    %add3A_1131 = arith.addi %add3A_1125, %add3A_1130 : vector<64x200xi32>
    %shift_left3A_1132 = arith.constant 17 : i32
    %shift_left3A_1133 = vector.broadcast %shift_left3A_1132 : i32 to vector<64x200xi32>
    %shift_left3A_1134 = arith.shli %add3A_1130, %shift_left3A_1133 : vector<64x200xi32>
    %shift_right_logical3A_1135 = arith.constant 15 : i32
    %shift_right_logical3A_1136 = vector.broadcast %shift_right_logical3A_1135 : i32 to vector<64x200xi32>
    %shift_right_logical3A_1137 = arith.shrui %add3A_1130, %shift_right_logical3A_1136 : vector<64x200xi32>
    %or3A_1138 = arith.ori %shift_left3A_1134, %shift_right_logical3A_1137 : vector<64x200xi32>
    %xor3A_1139 = arith.xori %or3A_1138, %add3A_1131 : vector<64x200xi32>
    %add3A_1140 = arith.addi %add3A_1131, %xor3A_1139 : vector<64x200xi32>
    %shift_left3A_1141 = arith.constant 29 : i32
    %shift_left3A_1142 = vector.broadcast %shift_left3A_1141 : i32 to vector<64x200xi32>
    %shift_left3A_1143 = arith.shli %xor3A_1139, %shift_left3A_1142 : vector<64x200xi32>
    %shift_right_logical3A_1144 = arith.constant 3 : i32
    %shift_right_logical3A_1145 = vector.broadcast %shift_right_logical3A_1144 : i32 to vector<64x200xi32>
    %shift_right_logical3A_1146 = arith.shrui %xor3A_1139, %shift_right_logical3A_1145 : vector<64x200xi32>
    %or3A_1147 = arith.ori %shift_left3A_1143, %shift_right_logical3A_1146 : vector<64x200xi32>
    %xor3A_1148 = arith.xori %or3A_1147, %add3A_1140 : vector<64x200xi32>
    %add3A_1149 = arith.addi %add3A_1140, %xor3A_1148 : vector<64x200xi32>
    %shift_left3A_1150 = arith.constant 16 : i32
    %shift_left3A_1151 = vector.broadcast %shift_left3A_1150 : i32 to vector<64x200xi32>
    %shift_left3A_1152 = arith.shli %xor3A_1148, %shift_left3A_1151 : vector<64x200xi32>
    %shift_right_logical3A_1153 = arith.constant 16 : i32
    %shift_right_logical3A_1154 = vector.broadcast %shift_right_logical3A_1153 : i32 to vector<64x200xi32>
    %shift_right_logical3A_1155 = arith.shrui %xor3A_1148, %shift_right_logical3A_1154 : vector<64x200xi32>
    %or3A_1156 = arith.ori %shift_left3A_1152, %shift_right_logical3A_1155 : vector<64x200xi32>
    %xor3A_1157 = arith.xori %or3A_1156, %add3A_1149 : vector<64x200xi32>
    %add3A_1158 = arith.addi %add3A_1149, %xor3A_1157 : vector<64x200xi32>
    %shift_left3A_1159 = arith.constant 24 : i32
    %shift_left3A_1160 = vector.broadcast %shift_left3A_1159 : i32 to vector<64x200xi32>
    %shift_left3A_1161 = arith.shli %xor3A_1157, %shift_left3A_1160 : vector<64x200xi32>
    %shift_right_logical3A_1162 = arith.constant 8 : i32
    %shift_right_logical3A_1163 = vector.broadcast %shift_right_logical3A_1162 : i32 to vector<64x200xi32>
    %shift_right_logical3A_1164 = arith.shrui %xor3A_1157, %shift_right_logical3A_1163 : vector<64x200xi32>
    %or3A_1165 = arith.ori %shift_left3A_1161, %shift_right_logical3A_1164 : vector<64x200xi32>
    %xor3A_1166 = arith.xori %or3A_1165, %add3A_1158 : vector<64x200xi32>
    %add3A_1167 = arith.constant 1754032335 : i32
    %add3A_1168 = vector.broadcast %add3A_1167 : i32 to vector<64x200xi32>
    %add3A_1169 = arith.addi %add3A_1158, %add3A_1168 : vector<64x200xi32>
    %add3A_1170 = arith.constant -1340887325 : i32
    %add3A_1171 = arith.constant 2 : i32
    %add3A_1172 = arith.addi %add3A_1170, %add3A_1171 : i32
    %add3A_1173 = vector.broadcast %add3A_1172 : i32 to vector<64x200xi32>
    %add3A_1174 = arith.addi %xor3A_1166, %add3A_1173 : vector<64x200xi32>
    %add3A_1175 = arith.addi %add3A_1169, %add3A_1174 : vector<64x200xi32>
    %shift_left3A_1176 = arith.constant 13 : i32
    %shift_left3A_1177 = vector.broadcast %shift_left3A_1176 : i32 to vector<64x200xi32>
    %shift_left3A_1178 = arith.shli %add3A_1174, %shift_left3A_1177 : vector<64x200xi32>
    %shift_right_logical3A_1179 = arith.constant 19 : i32
    %shift_right_logical3A_1180 = vector.broadcast %shift_right_logical3A_1179 : i32 to vector<64x200xi32>
    %shift_right_logical3A_1181 = arith.shrui %add3A_1174, %shift_right_logical3A_1180 : vector<64x200xi32>
    %or3A_1182 = arith.ori %shift_left3A_1178, %shift_right_logical3A_1181 : vector<64x200xi32>
    %xor3A_1183 = arith.xori %or3A_1182, %add3A_1175 : vector<64x200xi32>
    %add3A_1184 = arith.addi %add3A_1175, %xor3A_1183 : vector<64x200xi32>
    %shift_left3A_1185 = arith.constant 15 : i32
    %shift_left3A_1186 = vector.broadcast %shift_left3A_1185 : i32 to vector<64x200xi32>
    %shift_left3A_1187 = arith.shli %xor3A_1183, %shift_left3A_1186 : vector<64x200xi32>
    %shift_right_logical3A_1188 = arith.constant 17 : i32
    %shift_right_logical3A_1189 = vector.broadcast %shift_right_logical3A_1188 : i32 to vector<64x200xi32>
    %shift_right_logical3A_1190 = arith.shrui %xor3A_1183, %shift_right_logical3A_1189 : vector<64x200xi32>
    %or3A_1191 = arith.ori %shift_left3A_1187, %shift_right_logical3A_1190 : vector<64x200xi32>
    %xor3A_1192 = arith.xori %or3A_1191, %add3A_1184 : vector<64x200xi32>
    %add3A_1193 = arith.addi %add3A_1184, %xor3A_1192 : vector<64x200xi32>
    %shift_left3A_1194 = arith.constant 26 : i32
    %shift_left3A_1195 = vector.broadcast %shift_left3A_1194 : i32 to vector<64x200xi32>
    %shift_left3A_1196 = arith.shli %xor3A_1192, %shift_left3A_1195 : vector<64x200xi32>
    %shift_right_logical3A_1197 = arith.constant 6 : i32
    %shift_right_logical3A_1198 = vector.broadcast %shift_right_logical3A_1197 : i32 to vector<64x200xi32>
    %shift_right_logical3A_1199 = arith.shrui %xor3A_1192, %shift_right_logical3A_1198 : vector<64x200xi32>
    %or3A_1200 = arith.ori %shift_left3A_1196, %shift_right_logical3A_1199 : vector<64x200xi32>
    %xor3A_1201 = arith.xori %or3A_1200, %add3A_1193 : vector<64x200xi32>
    %add3A_1202 = arith.addi %add3A_1193, %xor3A_1201 : vector<64x200xi32>
    %shift_left3A_1203 = arith.constant 6 : i32
    %shift_left3A_1204 = vector.broadcast %shift_left3A_1203 : i32 to vector<64x200xi32>
    %shift_left3A_1205 = arith.shli %xor3A_1201, %shift_left3A_1204 : vector<64x200xi32>
    %shift_right_logical3A_1206 = arith.constant 26 : i32
    %shift_right_logical3A_1207 = vector.broadcast %shift_right_logical3A_1206 : i32 to vector<64x200xi32>
    %shift_right_logical3A_1208 = arith.shrui %xor3A_1201, %shift_right_logical3A_1207 : vector<64x200xi32>
    %or3A_1209 = arith.ori %shift_left3A_1205, %shift_right_logical3A_1208 : vector<64x200xi32>
    %xor3A_1210 = arith.xori %or3A_1209, %add3A_1202 : vector<64x200xi32>
    %add3A_1211 = arith.constant -1340887325 : i32
    %add3A_1212 = vector.broadcast %add3A_1211 : i32 to vector<64x200xi32>
    %add3A_1213 = arith.addi %add3A_1202, %add3A_1212 : vector<64x200xi32>
    %add3A_1214 = arith.constant -1018241546 : i32
    %add3A_1215 = arith.constant 3 : i32
    %add3A_1216 = arith.addi %add3A_1214, %add3A_1215 : i32
    %add3A_1217 = vector.broadcast %add3A_1216 : i32 to vector<64x200xi32>
    %add3A_1218 = arith.addi %xor3A_1210, %add3A_1217 : vector<64x200xi32>
    %add3A_1219 = arith.addi %add3A_1213, %add3A_1218 : vector<64x200xi32>
    %shift_left3A_1220 = arith.constant 17 : i32
    %shift_left3A_1221 = vector.broadcast %shift_left3A_1220 : i32 to vector<64x200xi32>
    %shift_left3A_1222 = arith.shli %add3A_1218, %shift_left3A_1221 : vector<64x200xi32>
    %shift_right_logical3A_1223 = arith.constant 15 : i32
    %shift_right_logical3A_1224 = vector.broadcast %shift_right_logical3A_1223 : i32 to vector<64x200xi32>
    %shift_right_logical3A_1225 = arith.shrui %add3A_1218, %shift_right_logical3A_1224 : vector<64x200xi32>
    %or3A_1226 = arith.ori %shift_left3A_1222, %shift_right_logical3A_1225 : vector<64x200xi32>
    %xor3A_1227 = arith.xori %or3A_1226, %add3A_1219 : vector<64x200xi32>
    %add3A_1228 = arith.addi %add3A_1219, %xor3A_1227 : vector<64x200xi32>
    %shift_left3A_1229 = arith.constant 29 : i32
    %shift_left3A_1230 = vector.broadcast %shift_left3A_1229 : i32 to vector<64x200xi32>
    %shift_left3A_1231 = arith.shli %xor3A_1227, %shift_left3A_1230 : vector<64x200xi32>
    %shift_right_logical3A_1232 = arith.constant 3 : i32
    %shift_right_logical3A_1233 = vector.broadcast %shift_right_logical3A_1232 : i32 to vector<64x200xi32>
    %shift_right_logical3A_1234 = arith.shrui %xor3A_1227, %shift_right_logical3A_1233 : vector<64x200xi32>
    %or3A_1235 = arith.ori %shift_left3A_1231, %shift_right_logical3A_1234 : vector<64x200xi32>
    %xor3A_1236 = arith.xori %or3A_1235, %add3A_1228 : vector<64x200xi32>
    %add3A_1237 = arith.addi %add3A_1228, %xor3A_1236 : vector<64x200xi32>
    %shift_left3A_1238 = arith.constant 16 : i32
    %shift_left3A_1239 = vector.broadcast %shift_left3A_1238 : i32 to vector<64x200xi32>
    %shift_left3A_1240 = arith.shli %xor3A_1236, %shift_left3A_1239 : vector<64x200xi32>
    %shift_right_logical3A_1241 = arith.constant 16 : i32
    %shift_right_logical3A_1242 = vector.broadcast %shift_right_logical3A_1241 : i32 to vector<64x200xi32>
    %shift_right_logical3A_1243 = arith.shrui %xor3A_1236, %shift_right_logical3A_1242 : vector<64x200xi32>
    %or3A_1244 = arith.ori %shift_left3A_1240, %shift_right_logical3A_1243 : vector<64x200xi32>
    %xor3A_1245 = arith.xori %or3A_1244, %add3A_1237 : vector<64x200xi32>
    %add3A_1246 = arith.addi %add3A_1237, %xor3A_1245 : vector<64x200xi32>
    %shift_left3A_1247 = arith.constant 24 : i32
    %shift_left3A_1248 = vector.broadcast %shift_left3A_1247 : i32 to vector<64x200xi32>
    %shift_left3A_1249 = arith.shli %xor3A_1245, %shift_left3A_1248 : vector<64x200xi32>
    %shift_right_logical3A_1250 = arith.constant 8 : i32
    %shift_right_logical3A_1251 = vector.broadcast %shift_right_logical3A_1250 : i32 to vector<64x200xi32>
    %shift_right_logical3A_1252 = arith.shrui %xor3A_1245, %shift_right_logical3A_1251 : vector<64x200xi32>
    %or3A_1253 = arith.ori %shift_left3A_1249, %shift_right_logical3A_1252 : vector<64x200xi32>
    %xor3A_1254 = arith.xori %or3A_1253, %add3A_1246 : vector<64x200xi32>
    %add3A_1255 = arith.constant -1018241546 : i32
    %add3A_1256 = vector.broadcast %add3A_1255 : i32 to vector<64x200xi32>
    %add3A_1257 = arith.addi %add3A_1246, %add3A_1256 : vector<64x200xi32>
    %add3A_1258 = arith.constant 1754032335 : i32
    %add3A_1259 = arith.constant 4 : i32
    %add3A_1260 = arith.addi %add3A_1258, %add3A_1259 : i32
    %add3A_1261 = vector.broadcast %add3A_1260 : i32 to vector<64x200xi32>
    %add3A_1262 = arith.addi %xor3A_1254, %add3A_1261 : vector<64x200xi32>
    %add3A_1263 = arith.addi %add3A_1257, %add3A_1262 : vector<64x200xi32>
    %shift_left3A_1264 = arith.constant 13 : i32
    %shift_left3A_1265 = vector.broadcast %shift_left3A_1264 : i32 to vector<64x200xi32>
    %shift_left3A_1266 = arith.shli %add3A_1262, %shift_left3A_1265 : vector<64x200xi32>
    %shift_right_logical3A_1267 = arith.constant 19 : i32
    %shift_right_logical3A_1268 = vector.broadcast %shift_right_logical3A_1267 : i32 to vector<64x200xi32>
    %shift_right_logical3A_1269 = arith.shrui %add3A_1262, %shift_right_logical3A_1268 : vector<64x200xi32>
    %or3A_1270 = arith.ori %shift_left3A_1266, %shift_right_logical3A_1269 : vector<64x200xi32>
    %xor3A_1271 = arith.xori %or3A_1270, %add3A_1263 : vector<64x200xi32>
    %add3A_1272 = arith.addi %add3A_1263, %xor3A_1271 : vector<64x200xi32>
    %shift_left3A_1273 = arith.constant 15 : i32
    %shift_left3A_1274 = vector.broadcast %shift_left3A_1273 : i32 to vector<64x200xi32>
    %shift_left3A_1275 = arith.shli %xor3A_1271, %shift_left3A_1274 : vector<64x200xi32>
    %shift_right_logical3A_1276 = arith.constant 17 : i32
    %shift_right_logical3A_1277 = vector.broadcast %shift_right_logical3A_1276 : i32 to vector<64x200xi32>
    %shift_right_logical3A_1278 = arith.shrui %xor3A_1271, %shift_right_logical3A_1277 : vector<64x200xi32>
    %or3A_1279 = arith.ori %shift_left3A_1275, %shift_right_logical3A_1278 : vector<64x200xi32>
    %xor3A_1280 = arith.xori %or3A_1279, %add3A_1272 : vector<64x200xi32>
    %add3A_1281 = arith.addi %add3A_1272, %xor3A_1280 : vector<64x200xi32>
    %shift_left3A_1282 = arith.constant 26 : i32
    %shift_left3A_1283 = vector.broadcast %shift_left3A_1282 : i32 to vector<64x200xi32>
    %shift_left3A_1284 = arith.shli %xor3A_1280, %shift_left3A_1283 : vector<64x200xi32>
    %shift_right_logical3A_1285 = arith.constant 6 : i32
    %shift_right_logical3A_1286 = vector.broadcast %shift_right_logical3A_1285 : i32 to vector<64x200xi32>
    %shift_right_logical3A_1287 = arith.shrui %xor3A_1280, %shift_right_logical3A_1286 : vector<64x200xi32>
    %or3A_1288 = arith.ori %shift_left3A_1284, %shift_right_logical3A_1287 : vector<64x200xi32>
    %xor3A_1289 = arith.xori %or3A_1288, %add3A_1281 : vector<64x200xi32>
    %add3A_1290 = arith.addi %add3A_1281, %xor3A_1289 : vector<64x200xi32>
    %shift_left3A_1291 = arith.constant 6 : i32
    %shift_left3A_1292 = vector.broadcast %shift_left3A_1291 : i32 to vector<64x200xi32>
    %shift_left3A_1293 = arith.shli %xor3A_1289, %shift_left3A_1292 : vector<64x200xi32>
    %shift_right_logical3A_1294 = arith.constant 26 : i32
    %shift_right_logical3A_1295 = vector.broadcast %shift_right_logical3A_1294 : i32 to vector<64x200xi32>
    %shift_right_logical3A_1296 = arith.shrui %xor3A_1289, %shift_right_logical3A_1295 : vector<64x200xi32>
    %or3A_1297 = arith.ori %shift_left3A_1293, %shift_right_logical3A_1296 : vector<64x200xi32>
    %xor3A_1298 = arith.xori %or3A_1297, %add3A_1290 : vector<64x200xi32>
    %add3A_1299 = arith.constant 1754032335 : i32
    %add3A_1300 = vector.broadcast %add3A_1299 : i32 to vector<64x200xi32>
    %add3A_1301 = arith.addi %add3A_1290, %add3A_1300 : vector<64x200xi32>
    %add3A_1302 = arith.constant -1340887325 : i32
    %add3A_1303 = arith.constant 5 : i32
    %add3A_1304 = arith.addi %add3A_1302, %add3A_1303 : i32
    %add3A_1305 = vector.broadcast %add3A_1304 : i32 to vector<64x200xi32>
    %add3A_1306 = arith.addi %xor3A_1298, %add3A_1305 : vector<64x200xi32>
    %xor3A_1307 = arith.xori %add3A_1301, %add3A_1306 : vector<64x200xi32>
    %shift_right_logical3A_1308 = arith.constant 9 : i32
    %shift_right_logical3A_1309 = vector.broadcast %shift_right_logical3A_1308 : i32 to vector<64x200xi32>
    %shift_right_logical3A_1310 = arith.shrui %xor3A_1307, %shift_right_logical3A_1309 : vector<64x200xi32>
    %or3A_1311 = arith.constant 1065353216 : i32
    %or3A_1312 = vector.broadcast %or3A_1311 : i32 to vector<64x200xi32>
    %or3A_1313 = arith.ori %shift_right_logical3A_1310, %or3A_1312 : vector<64x200xi32>
    %bitcast_convert_type3A_1314 = tpu.bitcast %or3A_1313 : vector<64x200xi32> -> vector<64x200xf32>
    %sub3A_1315 = arith.constant 1.000000e+00 : f32
    %sub3A_1316 = vector.broadcast %sub3A_1315 : f32 to vector<64x200xf32>
    %sub3A_1317 = arith.subf %bitcast_convert_type3A_1314, %sub3A_1316 : vector<64x200xf32>
    %convert_element_type3A_1318 = arith.sitofp %iota3A : vector<64x200xi32> to vector<64x200xf32>
    %mul3A_1319 = arith.constant 2.000000e+00 : f32
    %mul3A_1320 = vector.broadcast %mul3A_1319 : f32 to vector<64x200xf32>
    %mul3A_1321 = arith.mulf %mul3A_1320, %sub3A_1317 : vector<64x200xf32>
    %add3A_1322 = arith.addf %convert_element_type3A_1318, %mul3A_1321 : vector<64x200xf32>
    %slice3A = vector.extract_strided_slice %add3A_1322 {offsets = [0, 1], sizes = [64, 199], strides = [1, 1]} : vector<64x200xf32> to vector<64x199xf32>
    %slice3A_1323 = vector.extract_strided_slice %add3A_1322 {offsets = [0, 0], sizes = [64, 1], strides = [1, 1]} : vector<64x200xf32> to vector<64x1xf32>
    %concatenate3A = tpu.concatenate %slice3A, %slice3A_1323 in 1 : vector<64x199xf32>, vector<64x1xf32> -> vector<64x200xf32>
    %lt3A_1324 = arith.cmpf olt, %concatenate3A, %add3A_1322 : vector<64x200xf32>
    %lt3A_1325 = arith.constant 199 : i32
    %lt3A_1326 = vector.broadcast %lt3A_1325 : i32 to vector<64x200xi32>
    %lt3A_1327 = arith.cmpi slt, %iota3A, %lt3A_1326 : vector<64x200xi32>
    %and3A = arith.andi %lt3A_1324, %lt3A_1327 : vector<64x200xi1>
    %slice3A_1328 = vector.extract_strided_slice %add3A_1322 {offsets = [0, 199], sizes = [64, 1], strides = [1, 1]} : vector<64x200xf32> to vector<64x1xf32>
    %slice3A_1329 = vector.extract_strided_slice %add3A_1322 {offsets = [0, 0], sizes = [64, 199], strides = [1, 1]} : vector<64x200xf32> to vector<64x199xf32>
    %concatenate3A_1330 = tpu.concatenate %slice3A_1328, %slice3A_1329 in 1 : vector<64x1xf32>, vector<64x199xf32> -> vector<64x200xf32>
    %lt3A_1331 = arith.cmpf olt, %add3A_1322, %concatenate3A_1330 : vector<64x200xf32>
    %gt3A_1332 = arith.constant 0 : i32
    %gt3A_1333 = vector.broadcast %gt3A_1332 : i32 to vector<64x200xi32>
    %gt3A_1334 = arith.cmpi sgt, %iota3A, %gt3A_1333 : vector<64x200xi32>
    %and3A_1335 = arith.andi %lt3A_1331, %gt3A_1334 : vector<64x200xi1>
    %convert_element_type3A_1336 = arith.extui %and3A : vector<64x200xi1> to vector<64x200xi32>
    %convert_element_type3A_1337 = arith.sitofp %convert_element_type3A_1336 : vector<64x200xi32> to vector<64x200xf32>
    %convert_element_type3A_1338 = arith.truncf %convert_element_type3A_1337 : vector<64x200xf32> to vector<64x200xbf16>
    %convert_element_type3A_1339 = arith.extui %and3A_1335 : vector<64x200xi1> to vector<64x200xi32>
    %convert_element_type3A_1340 = arith.sitofp %convert_element_type3A_1339 : vector<64x200xi32> to vector<64x200xf32>
    %convert_element_type3A_1341 = arith.truncf %convert_element_type3A_1340 : vector<64x200xf32> to vector<64x200xbf16>
    %get3A_1342 = arith.constant 0 : index
    %get3A_1343 = arith.constant 0 : index
    %get3A_1344 = vector.load %arg5[%get3A_1342, %get3A_1343] : memref<200x5200xbf16, #tpu.memory_space<vmem>>, vector<200x5200xbf16>
    %dot_general3A = arith.constant dense<0.000000e+00> : vector<64x5200xf32>
    %dot_general3A_1345 = tpu.matmul %convert_element_type3A_1338, %get3A_1344, %dot_general3A {dimension_numbers = #tpu.dot_dimension_numbers<[1], [0], [0], [1], [0, 0, 1, 1], [], []>, transpose_lhs_hint = false} : vector<64x200xbf16>, vector<200x5200xbf16>, vector<64x5200xf32> -> vector<64x5200xf32>
    %get3A_1346 = arith.constant 0 : index
    %get3A_1347 = arith.constant 0 : index
    %get3A_1348 = vector.load %arg5[%get3A_1346, %get3A_1347] : memref<200x5200xbf16, #tpu.memory_space<vmem>>, vector<200x5200xbf16>
    %dot_general3A_1349 = arith.constant dense<0.000000e+00> : vector<64x5200xf32>
    %dot_general3A_1350 = tpu.matmul %convert_element_type3A_1341, %get3A_1348, %dot_general3A_1349 {dimension_numbers = #tpu.dot_dimension_numbers<[1], [0], [0], [1], [0, 0, 1, 1], [], []>, transpose_lhs_hint = false} : vector<64x200xbf16>, vector<200x5200xbf16>, vector<64x5200xf32> -> vector<64x5200xf32>
    %gt3A_1351 = arith.constant 5.000000e-01 : f32
    %gt3A_1352 = vector.broadcast %gt3A_1351 : f32 to vector<64x5200xf32>
    %gt3A_1353 = arith.cmpf ogt, %dot_general3A_1345, %gt3A_1352 : vector<64x5200xf32>
    %slice3A_1354 = vector.extract_strided_slice %select_n3A_494 {offsets = [0, 26], sizes = [64, 5174], strides = [1, 1]} : vector<64x5200xi32> to vector<64x5174xi32>
    %slice3A_1355 = vector.extract_strided_slice %select_n3A_494 {offsets = [0, 0], sizes = [64, 26], strides = [1, 1]} : vector<64x5200xi32> to vector<64x26xi32>
    %concatenate3A_1356 = tpu.concatenate %slice3A_1354, %slice3A_1355 in 1 : vector<64x5174xi32>, vector<64x26xi32> -> vector<64x5200xi32>
    %slice3A_1357 = vector.extract_strided_slice %select_n3A_494 {offsets = [0, 5174], sizes = [64, 26], strides = [1, 1]} : vector<64x5200xi32> to vector<64x26xi32>
    %slice3A_1358 = vector.extract_strided_slice %select_n3A_494 {offsets = [0, 0], sizes = [64, 5174], strides = [1, 1]} : vector<64x5200xi32> to vector<64x5174xi32>
    %concatenate3A_1359 = tpu.concatenate %slice3A_1357, %slice3A_1358 in 1 : vector<64x26xi32>, vector<64x5174xi32> -> vector<64x5200xi32>
    %select_n3A_1360 = arith.select %gt3A_1353, %concatenate3A_1356, %concatenate3A_1359 : vector<64x5200xi1>, vector<64x5200xi32>
    %add3A_1361 = arith.addf %dot_general3A_1345, %dot_general3A_1350 : vector<64x5200xf32>
    %gt3A_1362 = arith.constant 5.000000e-01 : f32
    %gt3A_1363 = vector.broadcast %gt3A_1362 : f32 to vector<64x5200xf32>
    %gt3A_1364 = arith.cmpf ogt, %add3A_1361, %gt3A_1363 : vector<64x5200xf32>
    %select_n3A_1365 = arith.select %gt3A_1364, %select_n3A_1360, %select_n3A_494 : vector<64x5200xi1>, vector<64x5200xi32>
    %swap3A = arith.constant 0 : index
    %swap3A_1366 = arith.constant 0 : index
    %swap3A_1367 = vector.load %arg3[%swap3A, %swap3A_1366] : memref<64x5200xi32, #tpu.memory_space<vmem>>, vector<64x5200xi32>
    tpu.vector_store %arg3[%swap3A, %swap3A_1366], %select_n3A_1365 {strides = array<i32>} : memref<64x5200xi32, #tpu.memory_space<vmem>>, vector<64x5200xi32>,
    %get3A_1368 = arith.constant 0 : index
    %get3A_1369 = arith.constant 0 : index
    %get3A_1370 = vector.load %arg6[%get3A_1368, %get3A_1369] : memref<200x2600xbf16, #tpu.memory_space<vmem>>, vector<200x2600xbf16>
    %dot_general3A_1371 = arith.constant dense<0.000000e+00> : vector<64x2600xf32>
    %dot_general3A_1372 = tpu.matmul %convert_element_type3A_1338, %get3A_1370, %dot_general3A_1371 {dimension_numbers = #tpu.dot_dimension_numbers<[1], [0], [0], [1], [0, 0, 1, 1], [], []>, transpose_lhs_hint = false} : vector<64x200xbf16>, vector<200x2600xbf16>, vector<64x2600xf32> -> vector<64x2600xf32>
    %get3A_1373 = arith.constant 0 : index
    %get3A_1374 = arith.constant 0 : index
    %get3A_1375 = vector.load %arg6[%get3A_1373, %get3A_1374] : memref<200x2600xbf16, #tpu.memory_space<vmem>>, vector<200x2600xbf16>
    %dot_general3A_1376 = arith.constant dense<0.000000e+00> : vector<64x2600xf32>
    %dot_general3A_1377 = tpu.matmul %convert_element_type3A_1341, %get3A_1375, %dot_general3A_1376 {dimension_numbers = #tpu.dot_dimension_numbers<[1], [0], [0], [1], [0, 0, 1, 1], [], []>, transpose_lhs_hint = false} : vector<64x200xbf16>, vector<200x2600xbf16>, vector<64x2600xf32> -> vector<64x2600xf32>
    %gt3A_1378 = arith.constant 5.000000e-01 : f32
    %gt3A_1379 = vector.broadcast %gt3A_1378 : f32 to vector<64x2600xf32>
    %gt3A_1380 = arith.cmpf ogt, %dot_general3A_1372, %gt3A_1379 : vector<64x2600xf32>
    %slice3A_1381 = vector.extract_strided_slice %add3A_1074 {offsets = [0, 13], sizes = [64, 2587], strides = [1, 1]} : vector<64x2600xf32> to vector<64x2587xf32>
    %slice3A_1382 = vector.extract_strided_slice %add3A_1074 {offsets = [0, 0], sizes = [64, 13], strides = [1, 1]} : vector<64x2600xf32> to vector<64x13xf32>
    %concatenate3A_1383 = tpu.concatenate %slice3A_1381, %slice3A_1382 in 1 : vector<64x2587xf32>, vector<64x13xf32> -> vector<64x2600xf32>
    %slice3A_1384 = vector.extract_strided_slice %add3A_1074 {offsets = [0, 2587], sizes = [64, 13], strides = [1, 1]} : vector<64x2600xf32> to vector<64x13xf32>
    %slice3A_1385 = vector.extract_strided_slice %add3A_1074 {offsets = [0, 0], sizes = [64, 2587], strides = [1, 1]} : vector<64x2600xf32> to vector<64x2587xf32>
    %concatenate3A_1386 = tpu.concatenate %slice3A_1384, %slice3A_1385 in 1 : vector<64x13xf32>, vector<64x2587xf32> -> vector<64x2600xf32>
    %select_n3A_1387 = arith.select %gt3A_1380, %concatenate3A_1383, %concatenate3A_1386 : vector<64x2600xi1>, vector<64x2600xf32>
    %add3A_1388 = arith.addf %dot_general3A_1372, %dot_general3A_1377 : vector<64x2600xf32>
    %gt3A_1389 = arith.constant 5.000000e-01 : f32
    %gt3A_1390 = vector.broadcast %gt3A_1389 : f32 to vector<64x2600xf32>
    %gt3A_1391 = arith.cmpf ogt, %add3A_1388, %gt3A_1390 : vector<64x2600xf32>
    %select_n3A_1392 = arith.select %gt3A_1391, %select_n3A_1387, %add3A_1074 : vector<64x2600xi1>, vector<64x2600xf32>
    %swap3A_1393 = arith.constant 0 : index
    %swap3A_1394 = arith.constant 0 : index
    %swap3A_1395 = vector.load %arg4[%swap3A_1393, %swap3A_1394] : memref<64x2600xf32, #tpu.memory_space<vmem>>, vector<64x2600xf32>
    tpu.vector_store %arg4[%swap3A_1393, %swap3A_1394], %select_n3A_1392 {strides = array<i32>} : memref<64x2600xf32, #tpu.memory_space<vmem>>, vector<64x2600xf32>,
    return
  }
  func.func @transform_0(%arg0: i32) -> (i32, i32) {
    %c0_i32 = arith.constant 0 : i32
    %c0_i32_0 = arith.constant 0 : i32
    return %arg0, %c0_i32 : i32, i32
  }
  func.func @transform_1(%arg0: i32) -> (i32, i32) {
    %c0_i32 = arith.constant 0 : i32
    %c0_i32_0 = arith.constant 0 : i32
    return %arg0, %c0_i32 : i32, i32
  }
  func.func @transform_2(%arg0: i32) -> (i32, i32) {
    %c0_i32 = arith.constant 0 : i32
    %c0_i32_0 = arith.constant 0 : i32
    return %arg0, %c0_i32 : i32, i32
  }
  func.func @transform_3(%arg0: i32) -> (i32, i32) {
    %c0_i32 = arith.constant 0 : i32
    %c0_i32_0 = arith.constant 0 : i32
    return %arg0, %c0_i32 : i32, i32
  }
}

</mosaic_0001>

<sc_bundles>
// kernel: sparse-core-data-format-call.1.cloned.1.call-start
scs
called_computation.1_lowered:
.L_overlay_start_0:
0x0: {  	s2 =	sld [smem:$0x3FD9]  }
0x1: {  	s3 =	sld [smem:$0x3FFE];
	_ =	sdelay $0x1  }
0x2: {  	s1 =	srdreg.scid  }
0x3: {  	s0 =	sand.u32 $0x1, s1  }
0x4: {  	s16 =	sshll.u32 s0, $0xA;
	s2 =	sadd.s32 s3, s2  }
0x5: {  	s2 =	sadd.s32 s2, s16  }
0x6: {  	[smem:$0x3FC6] =	sst s2  }
0x7: {  	_ = 	snop  }
0x8: {  	s2 =	sld [smem:$0x3FD0];
	_ =	sdelay $0x2  }
0x9: {  	s17 =	simm.s32 $0xB;
	s4 =	simm.s32 $0x10  }
0xa: {  	[smem:s4], [sflag:s17] =	dma.local [hbm:s2], $0x1  }
0xb: {  	_ =	swait.eq [sflag:s17], $0x1  }
0xc: {  	[sflag:s17] =	ssyncset.done $0x0  }
0xd: {  	[sflag:s17] =	ssyncadd.s32 $0xFFFFFFFF  }
0xe: {  	s18 =	sld [smem:$0x10];
	(tm) =	ssettm $0x1  }
0xf: {  	s19 =	sld [smem:$0x3FFB];
	_ =	sdelay $0x3  }
0x10: {  	_ =	strace s19  }
0x11: {  	s2 =	sld [smem:$0x3FFC];
	_ =	sdelay $0x3  }
0x12: {  	_ =	strace s2  }
0x13: {  	s2 =	sld [smem:$0x3FFD];
	_ =	sdelay $0x3  }
0x14: {  	_ =	strace s2  }
0x15: {  	_ =	strace $0x8FFFFFFF  }
0x16: {  	s20 =	sld [smem:$0x3FDB];
	_ =	sdelay $0x1  }
0x17: {  	s21 =	simm.s32 $_scs_section_size  }
0x18: {  	s5 =	simm.s32 $_size__tile_overlayer_lowered;
	s6 =	simm.s32 $_tile_overlayer_lowered  }
0x19: {  	s7 =	simm.s32 $0x1BFF;
	s22 =	sshll.u32 s6, $0x1;
	s4 =	sadd.s32 s21, s20  }
0x1a: {  	s23 =	simm.s32 $0x0;
	s5 =	sshll.u32 s5, $0x1;
	s6 =	sadd.s32 s22, s4  }
0x1b: {  	[timem:s23], [sflag:s7] =	dma.local [hbm:s6], s5  }
0x1c: {  	_ =	swait.ge [sflag:s7], s5  }
0x1d: {  	s5 =	ssub.s32 $0x0, s5;
	[sflag:s7] =	ssyncset.done $0x0  }
0x1e: {  	[sflag:s7] =	ssyncadd.s32 s5;
	_ =	sdelay $0x1  }
0x1f: {  	s24 =	simm.s32 $0x1B8B  }
0x20: {  	_ =	swait.ge [sflag:s24], $0x1  }
0x21: {  	[sflag:s24] =	ssyncset.done $0x0  }
0x22: {  	[sflag:s24] =	ssyncadd.s32 $0xFFFFFFFF  }
0x23: {  	s5 =	sld [smem:$0x0]  }
0x24: {  	s6 =	sand.u32 $0xFFFFFFFE, s1  }
0x25: {  	p0 =	sne.s32 s1, s6  }
0x26: {  	s6 =	sshll.u32 @p0 s6, $0xE  }
0x27: {  	s6 =	sadd.s32 @p0 $0x11B8D, s6;
	s7 =	sshll.u32 @p0 s5, $0x11  }
0x28: {  	s6 =	sor.u32 @p0 s7, s6  }
0x29: {  	[sflag:s6] =	ssyncadd.remote.s32 @p0 $0x1;
	_ =	sdelay $0x1  }
0x2a: {  	s6 =	simm.s32 @p0 $0x1B8D  }
0x2b: {  	_ =	swait.eq @p0 [sflag:s6], $0x1  }
0x2c: {  	[sflag:s6] =	ssyncadd.s32 @p0 $0xFFFFFFFF  }
0x2d: {  	s7 =	sshll.u32 @!p0 s1, $0xE  }
0x2e: {  	s7 =	sor.u32 @!p0 $0x4000, s7;
	s6 =	simm.s32 @!p0 $0x1B8D  }
0x2f: {  	s5 =	sshll.u32 @!p0 s5, $0x11;
	s7 =	sadd.s32 @!p0 $0x11B8D, s7;
	_ =	swait.eq @!p0 [sflag:s6], $0x1  }
0x30: {  	s5 =	sor.u32 @!p0 s5, s7;
	[sflag:s6] =	ssyncadd.s32 @!p0 $0xFFFFFFFF  }
0x31: {  	s26 =	simm.s32 $0x1B8E;
	s25 =	sld [smem:$0x3FFE];
	[sflag:s5] =	ssyncadd.remote.s32 @!p0 $0x1  }
0x32: {  	s27 =	simm.s32 $execute0_lowered;
	[smem:$0x3FD2] =	sst s26  }
0x33: {  	s6 =	sshll.u32 s27, $0x1;
	_ =	strace $0x80000049;
	[dreg:$0x1] =	wrdreg $0xFFFFFFFF  }
0x34: {  	s28 =	simm.s32 $_size_execute0_lowered;
	s4 =	sadd.s32 s4, s6;
	[dreg:$0x0] =	wrdreg $0x0  }
0x35: {  	s6 =	sshll.u32 s28, $0x1;
	[dreg:$0x2] =	wrdreg s4  }
0x36: {  	[dreg:$0x3] =	wrdreg s6  }
0x37: {  	[dreg:$0x4] =	wrdreg $0xC0  }
0x38: {  	_ =	task [dreg:s23], $0x5FFFF  }
0x39: {  	[dreg:$0x1] =	wrdreg $0xFFFFFFFF  }
0x3a: {  	[dreg:$0x0] =	wrdreg $0x60  }
0x3b: {  	[dreg:$0x2] =	wrdreg s25  }
0x3c: {  	[dreg:$0x3] =	wrdreg s18  }
0x3d: {  	[dreg:$0x4] =	wrdreg $0xA  }
0x3e: {  	_ =	task.clear_ibuf [dreg:s23], $0x5FFFF;
	_ =	strace $0x90000049  }
0x3f: {  	s29 =	simm.s32 $0xA;
	_ =	strace $0x8000004B  }
0x40: {  	_ =	swait.ge [sflag:s29], $0x1  }
0x41: {  	[sflag:s29] =	ssyncadd.s32 $0xFFFFFFFF  }
0x42: {  	_ =	strace $0x9000004B  }
0x43: {  	_ =	sfence  }
0x44: {  	s30 =	sld [smem:$0x0];
	_ =	sdelay $0x2  }
0x45: {  	s31 =	sshll.u32 s1, $0xD;
	s1 =	sshrl.u32 s1, $0x2  }
0x46: {  	s4 =	sand.u32 $0x4000, s31;
	s1 =	sadd.s32 s1, s30  }
0x47: {  	s0 =	sor.u32 s4, s0;
	s1 =	sshll.u32 s1, $0x11  }
0x48: {  	s0 =	sor.u32 s1, s0  }
0x49: {  	s0 =	sadd.s32 $0x8F2B, s0  }
0x4a: {  	[sflag:s0] =	ssyncadd.remote.s32 $0x1  }
0x4b: {  	_ =	sfence.sel $0xFFFF  }
0x4c: {  	[dreg:$0x0] =	wrdreg $0xFFFFFFFF;
	(pc) =	sbr.abs _section_cstart, $3  }
0x4d: {  	[dreg:$0x1] =	wrdreg $0xFFFFFFFF  }
0x4e: {  	_ =	task.clear_ibuf [dreg:s23], $0x2FFFF;
	_ =	strace $0x9FFFFFFF  }
0x4f: {  	(tm) =	ssettm $0x7FFFFFFF  }
tec
execute0_lowered:
.L_overlay_start_1:
0x0: {  	(tag) =	ssettag $0x1  }
0x1: {  	s0 =	srdreg.scid  }
0x2: {  	s1 =	sshll.u32 s0, $0x4  }
0x3: {  	s4 =	rddreg [dreg:$0x0];
	s0 =	stileid.u32;
	s1 =	sand.u32 $0x10, s1  }
0x4: {  	s3 =	rddreg [dreg:$0x1];
	s1 =	sor.u32 s0, s1  }
0x5: {  	s31 =	simm.s32 $0x2;
	s14 =	simm.s32 $0x0;
	s2 =	sshll.u32 s1, $0x7  }
0x6: {  	s8 =	simm.s32 $0x200;
	s9 =	simm.s32 $0xC8000;
	s5 =	ssub.s32 $0x1000, s2  }
0x7: {  	s10 =	simm.s32 $0x0;
	s15 =	simm.s32 $0x0;
	s6 =	sand.u32 $0xF80, s5  }
0x8: {  	s11 =	simm.s32 $0x0;
	p0 =	sne.s32 s6, $0x0;
	s6 =	simm.s32 $0x1  }
.Ltmp0:
0x9: {  	s5 =	sshrl.u32 s5, $0xC;
	s6 =	simm.s32 @!p0 $0x0;
	(pc) =	sbr.rel .LBB1_1-.Ltmp0, $4  }
0xa: {  	s1 =	rddreg [dreg:$0x2];
	_ =	strace $0x8000004A;
	s5 =	sadd.s32 s6, s5  }
0xb: {  	s7 =	sadd.s32 s2, s4;
	s4 =	simm.s32 $0x1;
	s5 =	smul.u32 $0x32, s5  }
0xc: {  	s12 =	simm.s32 $0x0;
	s13 =	simm.s32 $0x0;
	[sflag:s4] =	ssyncpa.u1 $0x0  }
0xd: {  	[sflag:s31] =	ssyncpa.u1 $0x0;
	s6 =	sadd.s32 $0x190A00, s7;
	s7 =	sor.u32 $0x1, s5  }
.LBB1_7:
0xe: {  	p0 =	slt.u32 s13, $0x2  }
0xf: {  	p1 =	sgt.s32 @!p0 s14, $0xC4  }
0x10: {  	s15 =	smov.u32 s14;
	s16 =	sshra.s32 @!p0 s14, $0x1F;
	p1 =	por !p1, p0  }
0x11: {  	s14 =	sand.u32 @!p0 s16, s14;
	s15 =	simm.s32 @p1 $0xC4  }
0x12: {  	s14 =	ssub.s32 @!p0 s15, s14  }
0x13: {  	s15 =	ssub.s32 @!p0 $0xC8, s14  }
0x14: {  	s14 =	sadd.s32 @!p0 $0xFFFFFF3C, s14;
	s15 =	smul.u32 @!p0 $0xD00, s15  }
0x15: {  	p1 =	sgt.s32 @!p0 s14, $0x3  }
0x16: {  	s16 =	sadd.s32 $0x4, s12;
	p1 =	por !p1, p0;
	s14 =	sand.u32 @!p0 $0x3FFFFF00, s15  }
0x17: {  	s14 =	simm.s32 @!p1 $0x0;
	p1 =	sgt.s32 s16, $0xC7  }
0x18: {  	s16 =	simm.s32 @p1 $0x0;
	p1 =	sne.s32 s13, s7  }
.Ltmp1:
0x19: {  	_ = 	snop;
	(pc) =	sbr.rel @!p1 .LBB1_8-.Ltmp1, $4  }
0x1a: {  	s10 =	sadd.s32 $0x4000, s10;
	s15 =	simm.s32 @!p0 $0x2  }
0x1b: {  	_ =	swait.ge @!p0 [sflag:s15], s14;
	s17 =	ssub.s32 @!p0 $0x0, s14;
	s14 =	smov.u32 s11  }
0x1c: {  	s13 =	sadd.s32 $0x1, s13;
	s11 =	smov.u32 s12;
	[sflag:s15] =	ssyncset.done @!p0 $0x0  }
0x1d: {  	s12 =	smov.u32 s16;
	[sflag:s15] =	ssyncadd.s32 @!p0 s17;
	s15 =	smov.u32 s2  }
.LBB1_1:
0x1e: {  	p0 =	sge.u32 s13, s5  }
0x1f: {  	s31 =	sadd.s32 $0xFFFFFFFF, s13;
	s16 =	sxor.u32 @!p0 $0xFFFFFFFF, s13  }
0x20: {  	s17 =	sshll.u32 @!p0 s12, $0xE;
	s18 =	simm.s32 @!p0 $0x400;
	s16 =	sshll.u32 @!p0 s16, $0xE  }
0x21: {  	s19 =	simm.s32 @!p0 $0x8000;
	s17 =	sadd.s32 @!p0 s17, s6;
	s16 =	sand.u32 @!p0 $0x4000, s16  }
0x22: {  	[tilespmem:s16], [sflag:$0x1] =	stream.strided.gather @!p0 [hbm4b:s17+s18], $0x4000, s19, s18, $0x38;
	[tilespmem:$0x10000] =	vst v63  }
0x23: {  	p0 =	sge.u32 s31, s5  }
.Ltmp2:
0x24: {  	_ = 	snop;
	(pc) =	sbr.rel @p0 .LBB1_7-.Ltmp2, $1  }
0x25: {  	_ =	sdelay $0x3  }
0x26: {  	s16 =	sand.u32 $0x4000, s10  }
0x27: {  	_ =	swait.ge [sflag:s4], $0x4000;
	s19 =	sshll.u32 s13, $0xE;
	s17 =	sor.u32 $0x8040, s16  }
0x28: {  	s18 =	sor.u32 $0x40, s16;
	[sflag:s4] =	ssyncset.done $0x0;
	s31 =	sand.u32 $0x4000, s19  }
0x29: {  	s19 =	simm.s32 $0x0;
	[sflag:s4] =	ssyncadd.s32 $0xFFFFC000;
	s16 =	sor.u32 $0x8000, s31  }
.LBB1_3:
0x2a: {  	v0 =	vmov s18;
	_ =	sdelay $0x3  }
0x2b: {  	s21 =	simm.s32 $0x0  }
0x2c: {  	v6 =	vld.idx.msk [tilespmem:v0+s21+$0x30 ss:$0x1], $0xffff  }
0x2d: {  	v7 =	vld.idx.msk [tilespmem:v0+s21+$0xFFFFFFC0 ss:$0x1], $0xffff  }
0x2e: {  	v5 =	vld.idx.msk [tilespmem:v0+s21+$0xFFFFFFD0 ss:$0x1], $0xffff  }
0x2f: {  	v4 =	vld.idx.msk [tilespmem:v0+s21+$0xFFFFFFE0 ss:$0x1], $0xffff  }
0x30: {  	v3 =	vld.idx.msk [tilespmem:v0+s21+$0xFFFFFFF0 ss:$0x1], $0xffff  }
0x31: {  	v1 =	vld.idx.msk [tilespmem:v0+s21+$0x0 ss:$0x1], $0xffff  }
0x32: {  	v2 =	vld.idx.msk [tilespmem:v0+s21+$0x10 ss:$0x1], $0xffff;
	[tilespmem:s17+$0x30] =	vst v6  }
0x33: {  	s20 =	simm.s32 $0x80;
	s22 =	simm.s32 $0x400;
	[tilespmem:s17+$0xFFFFFFC0] =	vst v7;
	v6 =	vld.idx.msk [tilespmem:v0+s21+$0x20 ss:$0x1], $0xffff;
	s21 =	smov.u32 s17  }
.LBB1_4:
0x34: {  	p0 =	sne.s32 s22, $0x3E00;
	v7 =	vld.idx.msk [tilespmem:v0+s20+$0x30 ss:$0x1], $0xffff;
	[tilespmem:s21+$0xFFFFFFD0] =	vst v5  }
0x35: {  	v8 =	vld.idx.msk [tilespmem:v0+s20+$0xFFFFFFC0 ss:$0x1], $0xffff;
	[tilespmem:s21+$0xFFFFFFE0] =	vst v4  }
0x36: {  	v5 =	vld.idx.msk [tilespmem:v0+s20+$0xFFFFFFD0 ss:$0x1], $0xffff;
	[tilespmem:s21+$0xFFFFFFF0] =	vst v3  }
.Ltmp3:
0x37: {  	v4 =	vld.idx.msk [tilespmem:v0+s20+$0xFFFFFFE0 ss:$0x1], $0xffff;
	[tilespmem:s21+$0x0] =	vst v1;
	(pc) =	sbr.rel @p0 .LBB1_4-.Ltmp3, $4  }
0x38: {  	v3 =	vld.idx.msk [tilespmem:v0+s20+$0xFFFFFFF0 ss:$0x1], $0xffff;
	[tilespmem:s21+$0x10] =	vst v2  }
0x39: {  	v1 =	vld.idx.msk [tilespmem:v0+s20+$0x0 ss:$0x1], $0xffff;
	[tilespmem:s21+$0x20] =	vst v6;
	s21 =	sadd.s32 $0x200, s21  }
0x3a: {  	v2 =	vld.idx.msk [tilespmem:v0+s20+$0x10 ss:$0x1], $0xffff;
	[tilespmem:s21+$0x30] =	vst v7  }
0x3b: {  	[tilespmem:s21+$0xFFFFFFC0] =	vst v8;
	v6 =	vld.idx.msk [tilespmem:v0+s20+$0x20 ss:$0x1], $0xffff;
	s20 =	sshra.s32 s22, $0x2;
	s22 =	sadd.s32 $0x200, s22  }
0x3c: {  	_ =	sdelay $0x2  }
0x3d: {  	[tilespmem:s21+$0xFFFFFFD0] =	vst v5  }
0x3e: {  	v56 =	vld.idx.msk [tilespmem:v0+s20+$0x30 ss:$0x1], $0xffff;
	[tilespmem:s21+$0xFFFFFFE0] =	vst v4  }
0x3f: {  	v57 =	vld.idx.msk [tilespmem:v0+s20+$0xFFFFFFC0 ss:$0x1], $0xffff;
	[tilespmem:s21+$0xFFFFFFF0] =	vst v3  }
0x40: {  	v58 =	vld.idx.msk [tilespmem:v0+s20+$0xFFFFFFD0 ss:$0x1], $0xffff;
	[tilespmem:s21+$0x0] =	vst v1  }
0x41: {  	v59 =	vld.idx.msk [tilespmem:v0+s20+$0xFFFFFFE0 ss:$0x1], $0xffff;
	[tilespmem:s21+$0x10] =	vst v2  }
0x42: {  	v60 =	vld.idx.msk [tilespmem:v0+s20+$0xFFFFFFF0 ss:$0x1], $0xffff;
	s31 =	sadd.s32 $0x200, s21;
	[tilespmem:s21+$0x20] =	vst v6  }
0x43: {  	v61 =	vld.idx.msk [tilespmem:v0+s20+$0x0 ss:$0x1], $0xffff;
	[tilespmem:s31+$0x30] =	vst v56  }
0x44: {  	v62 =	vld.idx.msk [tilespmem:v0+s20+$0x10 ss:$0x1], $0xffff;
	s19 =	sadd.s32 $0x1, s19;
	[tilespmem:s31+$0xFFFFFFC0] =	vst v57  }
0x45: {  	v63 =	vld.idx.msk [tilespmem:v0+s20+$0x20 ss:$0x1], $0xffff;
	p0 =	sne.s32 s19, $0x4;
	[tilespmem:s31+$0xFFFFFFD0] =	vst v58  }
.Ltmp4:
0x46: {  	[tilespmem:s31+$0xFFFFFFE0] =	vst v59;
	(pc) =	sbr.rel @p0 .LBB1_3-.Ltmp4, $4  }
0x47: {  	[tilespmem:s31+$0xFFFFFFF0] =	vst v60  }
0x48: {  	[tilespmem:s31+$0x0] =	vst v61  }
0x49: {  	[tilespmem:s31+$0x10] =	vst v62  }
0x4a: {  	s17 =	sadd.s32 $0x80, s17;
	s18 =	sadd.s32 $0x1000, s18;
	[tilespmem:s31+$0x20] =	vst v63  }
0x4b: {  	s17 =	sshll.u32 s11, $0xC;
	s15 =	sshll.u32 s15, $0x3;
	p0 =	sgt.s32 s11, $0xC4  }
0x4c: {  	s19 =	smov.u32 s11;
	s20 =	sshra.s32 s11, $0x1F;
	s17 =	sand.u32 $0xFFFF8000, s17  }
0x4d: {  	s19 =	simm.s32 @!p0 $0xC4;
	s20 =	sand.u32 s20, s11;
	s17 =	sadd.s32 s15, s17  }
0x4e: {  	s19 =	ssub.s32 s19, s20;
	s17 =	sshrl.u32 s17, $0xC  }
0x4f: {  	s29 =	ssub.s32 $0xC8, s19;
	s21 =	smulhi.u32 $0x147AE15, s17  }
0x50: {  	s18 =	sshll.u32 s11, $0x7;
	s31 =	smul.u32 $0xD00, s29  }
0x51: {  	s18 =	sand.u32 $0x380, s18;
	s15 =	sand.u32 $0xC00, s15;
	s28 =	smul.u32 $0xC8, s21  }
.Ltmp5:
0x52: {  	s15 =	sor.u32 s18, s15;
	s30 =	sadd.s32 $0xFFFFFF3C, s19;
	(pc) =	sbr.rel .LBB1_7-.Ltmp5, $4  }
0x53: {  	p0 =	sgt.s32 s30, $0x3;
	s15 =	sshrl.u32 s15, $0x3;
	s17 =	ssub.s32 s17, s28  }
0x54: {  	s15 =	sadd.s32 s3, s15;
	s18 =	sand.u32 $0x3FFFFF00, s31;
	s17 =	sshll.u32 s17, $0x9  }
0x55: {  	s18 =	simm.s32 @p0 $0x0;
	s15 =	sadd.s32 s17, s15  }
0x56: {  	[hbm4b:s15+s8] =	stream.strided.scatter [tilespmem:s16], [sflag:$0x2], s18, s9, s8, $0x38;
	[tilespmem:$0x10000] =	vst v63  }
.LBB1_8:
0x57: {  	_ =	sfence.sel $0x180000  }
0x58: {  	s2 =	simm.s32 $0x1;
	[bflag:$0x0] =	sbarrier.arrive $0xFFFF  }
0x59: {  	s31 =	simm.s32 $0x2;
	[sflag:s2] =	ssyncpa.u1 $0x1  }
0x5a: {  	[sflag:s31] =	ssyncpa.u1 $0x1  }
0x5b: {  	p0 =	sne.s32 s0, $0x0;
	_ =	strace $0x9000004A  }
0x5c: {  	s0 =	sadd.s32 @!p0 $0x100000, s1;
	[bflag:$0x2] =	sbarrier.arrive $0xFFFF  }
0x5d: {  	[sflag:s0] =	ssyncadd.tile.s32 @!p0 $0x1;
	_ =	shalt  }
.Lfunc_end1:
_tile_overlayer_lowered:
.L_overlay_start_2:
0x5e: {  	(tag) =	ssettag $0x2  }
0x5f: {  	s0 =	rddreg [dreg:$0x0];
	s2 =	stileid.u32  }
0x60: {  	s1 =	rddreg [dreg:$0x1];
	p0 =	sne.s32 s2, $0x0  }
0x61: {  	s3 =	rddreg [dreg:$0x2];
	[bflag:$0x3] =	sbarrier.arrive $0xFFFF;
	s2 =	simm.s32 @!p0 $0x1C01  }
0x62: {  	[timem:s3], [sflag:s2] =	dma.local @!p0 [hbm:s0], s1  }
0x63: {  	s0 =	simm.s32 @!p0 $0x1  }
0x64: {  	_ =	swait.ge @!p0 [sflag:s0], s1  }
0x65: {  	s1 =	ssub.s32 @!p0 $0x0, s1;
	[sflag:s0] =	ssyncset.done @!p0 $0x0  }
0x66: {  	[sflag:s0] =	ssyncadd.s32 @!p0 s1  }
0x67: {  	[bflag:$0x3] =	sbarrier.arrive $0xFFFF  }
0x68: {  	_ =	shalt  }

// kernel: sparse-core-data-format-call.cloned.1.call-start
scs
called_computation_lowered:
.L_overlay_start_0:
0x0: {  	s2 =	sld [smem:$0x3FD9]  }
0x1: {  	s3 =	sld [smem:$0x3FFE];
	_ =	sdelay $0x1  }
0x2: {  	s1 =	srdreg.scid  }
0x3: {  	s0 =	sand.u32 $0x1, s1  }
0x4: {  	s15 =	sshll.u32 s0, $0xA;
	s2 =	sadd.s32 s3, s2  }
0x5: {  	s2 =	sadd.s32 s2, s15  }
0x6: {  	[smem:$0x3FC6] =	sst s2  }
0x7: {  	_ = 	snop  }
0x8: {  	s2 =	sld [smem:$0x3FD0];
	_ =	sdelay $0x2  }
0x9: {  	s16 =	simm.s32 $0xB;
	s4 =	simm.s32 $0x10  }
0xa: {  	[smem:s4], [sflag:s16] =	dma.local [hbm:s2], $0x1  }
0xb: {  	_ =	swait.eq [sflag:s16], $0x1  }
0xc: {  	[sflag:s16] =	ssyncset.done $0x0  }
0xd: {  	[sflag:s16] =	ssyncadd.s32 $0xFFFFFFFF  }
0xe: {  	s17 =	sld [smem:$0x11];
	(tm) =	ssettm $0x1  }
0xf: {  	s18 =	sld [smem:$0x3FFB];
	_ =	sdelay $0x3  }
0x10: {  	_ =	strace s18  }
0x11: {  	s3 =	sld [smem:$0x3FFC];
	_ =	sdelay $0x3  }
0x12: {  	_ =	strace s3  }
0x13: {  	s3 =	sld [smem:$0x3FFD];
	_ =	sdelay $0x3  }
0x14: {  	_ =	strace s3  }
0x15: {  	_ =	strace $0x8FFFFFFF  }
0x16: {  	s19 =	sld [smem:$0x3FDB];
	_ =	sdelay $0x1  }
0x17: {  	s20 =	simm.s32 $_scs_section_size  }
0x18: {  	s5 =	simm.s32 $_size__tile_overlayer_lowered;
	s6 =	simm.s32 $_tile_overlayer_lowered  }
0x19: {  	s23 =	simm.s32 $0x1BFF;
	s22 =	sshll.u32 s6, $0x1;
	s3 =	sadd.s32 s20, s19  }
0x1a: {  	s7 =	simm.s32 $0x0;
	s21 =	sshll.u32 s5, $0x1;
	s5 =	sadd.s32 s22, s3  }
0x1b: {  	[timem:s7], [sflag:s23] =	dma.local [hbm:s5], s21  }
0x1c: {  	_ =	swait.ge [sflag:s23], s21  }
0x1d: {  	s4 =	ssub.s32 $0x0, s21;
	[sflag:s23] =	ssyncset.done $0x0  }
0x1e: {  	[sflag:s23] =	ssyncadd.s32 s4;
	_ =	sdelay $0x1  }
0x1f: {  	s24 =	simm.s32 $0x1B8B  }
0x20: {  	_ =	swait.ge [sflag:s24], $0x1  }
0x21: {  	[sflag:s24] =	ssyncset.done $0x0  }
0x22: {  	s26 =	simm.s32 $0x1B8E;
	s25 =	sld [smem:$0x3FFE];
	[sflag:s24] =	ssyncadd.s32 $0xFFFFFFFF  }
0x23: {  	s27 =	simm.s32 $execute0_lowered;
	[smem:$0x3FD2] =	sst s26  }
0x24: {  	s5 =	sshll.u32 s27, $0x1;
	_ =	strace $0x80000046;
	[dreg:$0x1] =	wrdreg $0xFFFFFFFF  }
0x25: {  	s28 =	simm.s32 $_size_execute0_lowered;
	s3 =	sadd.s32 s3, s5;
	[dreg:$0x0] =	wrdreg $0x0  }
0x26: {  	s5 =	sshll.u32 s28, $0x1;
	[dreg:$0x2] =	wrdreg s3  }
0x27: {  	[dreg:$0x3] =	wrdreg s5  }
0x28: {  	[dreg:$0x4] =	wrdreg $0xC0  }
0x29: {  	_ =	task [dreg:s7], $0x5FFFF  }
0x2a: {  	[dreg:$0x1] =	wrdreg $0xFFFFFFFF  }
0x2b: {  	[dreg:$0x0] =	wrdreg $0x60  }
0x2c: {  	[dreg:$0x2] =	wrdreg s25  }
0x2d: {  	[dreg:$0x3] =	wrdreg s17  }
0x2e: {  	[dreg:$0x4] =	wrdreg $0x9  }
0x2f: {  	_ =	task.clear_ibuf [dreg:s7], $0x5FFFF;
	_ =	strace $0x90000046  }
0x30: {  	s29 =	simm.s32 $0x9;
	_ =	strace $0x80000048  }
0x31: {  	_ =	swait.ge [sflag:s29], $0x1  }
0x32: {  	[sflag:s29] =	ssyncadd.s32 $0xFFFFFFFF  }
0x33: {  	_ =	strace $0x90000048  }
0x34: {  	_ =	sfence  }
0x35: {  	s30 =	sld [smem:$0x0];
	_ =	sdelay $0x2  }
0x36: {  	s31 =	sshll.u32 s1, $0xD;
	s1 =	sshrl.u32 s1, $0x2  }
0x37: {  	s3 =	sand.u32 $0x4000, s31;
	s1 =	sadd.s32 s1, s30  }
0x38: {  	s0 =	sor.u32 s3, s0;
	s1 =	sshll.u32 s1, $0x11  }
0x39: {  	s0 =	sor.u32 s1, s0  }
0x3a: {  	s0 =	sadd.s32 $0x8F2B, s0  }
0x3b: {  	[sflag:s0] =	ssyncadd.remote.s32 $0x1  }
0x3c: {  	_ =	sfence.sel $0xFFFF  }
0x3d: {  	[dreg:$0x0] =	wrdreg $0xFFFFFFFF;
	(pc) =	sbr.abs _section_cstart, $3  }
0x3e: {  	[dreg:$0x1] =	wrdreg $0xFFFFFFFF  }
0x3f: {  	_ =	task.clear_ibuf [dreg:s7], $0x2FFFF;
	_ =	strace $0x9FFFFFFF  }
0x40: {  	(tm) =	ssettm $0x7FFFFFFF  }
0x41: {  	_ =	shalt  }
tec
execute0_lowered:
.L_overlay_start_1:
0x0: {  	(tag) =	ssettag $0x1  }
0x1: {  	s4 =	rddreg [dreg:$0x0]  }
0x2: {  	s0 =	srdreg.scid;
	s2 =	rddreg [dreg:$0x1]  }
0x3: {  	_ =	strace $0x80000047;
	s31 =	simm.s32 $0x2;
	s15 =	simm.s32 $0x0  }
0x4: {  	s10 =	simm.s32 $0xC8000;
	s11 =	simm.s32 $0x0;
	s1 =	sshll.u32 s0, $0x4  }
0x5: {  	s17 =	simm.s32 $0x0;
	s0 =	stileid.u32;
	s1 =	sand.u32 $0x10, s1  }
0x6: {  	s18 =	simm.s32 $0x0;
	s12 =	simm.s32 $0x0;
	s1 =	sor.u32 s0, s1  }
0x7: {  	s13 =	simm.s32 $0x0;
	s14 =	simm.s32 $0x0;
	s1 =	sshll.u32 s1, $0x7  }
0x8: {  	s16 =	simm.s32 $0x0;
	s24 =	simm.s32 $0x0;
	s3 =	sand.u32 $0xF00, s1  }
0x9: {  	s5 =	sshll.u32 s0, $0x7;
	s8 =	sshll.u32 s0, $0x3;
	s6 =	ssub.s32 $0x1000, s3  }
0xa: {  	s9 =	sshll.u32 s0, $0xC;
	s5 =	sand.u32 $0x100, s5;
	s30 =	sand.u32 $0xF00, s6  }
0xb: {  	s7 =	sadd.s32 s5, s4;
	s5 =	simm.s32 $0x1;
	p0 =	sne.s32 s30, $0x0  }
.Ltmp0:
0xc: {  	s6 =	sshrl.u32 s6, $0xC;
	s5 =	simm.s32 @!p0 $0x0;
	(pc) =	sbr.rel .LBB1_1-.Ltmp0, $4  }
0xd: {  	s4 =	simm.s32 $0x1;
	s1 =	sor.u32 s9, s1;
	s5 =	sadd.s32 s5, s6  }
0xe: {  	[sflag:s4] =	ssyncpa.u1 $0x0;
	s1 =	sand.u32 $0x1E00, s1;
	s5 =	smul.u32 $0x19, s5  }
0xf: {  	s9 =	simm.s32 $0x800;
	[sflag:s31] =	ssyncpa.u1 $0x0;
	s1 =	sadd.s32 s1, s7  }
0x10: {  	s7 =	sadd.s32 $0xA00, s1;
	s6 =	sand.u32 $0x8, s8;
	s8 =	sadd.s32 $0x1, s5  }
.LBB1_7:
0x11: {  	p0 =	slt.u32 s16, $0x2  }
0x12: {  	p1 =	sgt.s32 @!p0 s17, $0xC0  }
0x13: {  	s1 =	smov.u32 s17;
	s18 =	sshra.s32 @!p0 s17, $0x1F;
	p1 =	por !p1, p0  }
0x14: {  	s17 =	sand.u32 @!p0 s18, s17;
	s1 =	simm.s32 @p1 $0xC0  }
0x15: {  	p1 =	sgt.s32 @!p0 s15, $0x5;
	s1 =	ssub.s32 @!p0 s1, s17  }
0x16: {  	s19 =	sadd.s32 $0x8, s14;
	p1 =	por !p1, p0;
	s17 =	sadd.s32 @!p0 $0xFFFFFF40, s1  }
0x17: {  	s20 =	sadd.s32 $0x1, s16;
	s15 =	simm.s32 @p1 $0x5;
	p1 =	sgt.s32 @!p0 s17, $0x7  }
0x18: {  	s1 =	ssub.s32 @!p0 $0xC8, s1;
	s15 =	sshll.u32 @!p0 s15, $0x8;
	p1 =	por !p1, p0  }
0x19: {  	s15 =	ssub.s32 @!p0 $0xD00, s15;
	s1 =	simm.s32 @!p1 $0x0;
	p1 =	sgt.s32 s19, $0xC7  }
0x1a: {  	s1 =	smul.u32 @!p0 s1, s15;
	s19 =	simm.s32 @p1 $0x0;
	p1 =	sne.s32 s16, s8  }
.Ltmp1:
0x1b: {  	s11 =	sadd.s32 $0x4000, s11;
	s18 =	simm.s32 @!p0 $0x2;
	(pc) =	sbr.rel @!p1 .LBB1_8-.Ltmp1, $4  }
0x1c: {  	s17 =	smov.u32 s13;
	s13 =	smov.u32 s14;
	s1 =	sand.u32 @!p0 $0x3FFFFF00, s1  }
0x1d: {  	s15 =	smov.u32 s12;
	s12 =	smov.u32 s6;
	_ =	swait.ge @!p0 [sflag:s18], s1  }
0x1e: {  	s16 =	smov.u32 s20;
	s1 =	ssub.s32 @!p0 $0x0, s1;
	[sflag:s18] =	ssyncset.done @!p0 $0x0  }
0x1f: {  	s14 =	smov.u32 s19;
	[sflag:s18] =	ssyncadd.s32 @!p0 s1;
	s18 =	smov.u32 s3  }
.LBB1_1:
0x20: {  	p0 =	sge.u32 s16, s5  }
0x21: {  	s31 =	sadd.s32 $0xFFFFFFFF, s16;
	s1 =	sxor.u32 @!p0 $0xFFFFFFFF, s16  }
0x22: {  	s19 =	sshll.u32 @!p0 s14, $0xD;
	s20 =	simm.s32 @!p0 $0x800;
	s1 =	sshll.u32 @!p0 s1, $0xE  }
0x23: {  	s21 =	simm.s32 @!p0 $0x10000;
	s19 =	sadd.s32 @!p0 s19, s7;
	s1 =	sand.u32 @!p0 $0x4000, s1  }
0x24: {  	[tilespmem:s1], [sflag:$0x1] =	stream.strided.gather @!p0 [hbm4b:s19+s20], $0x4000, s21, s20, $0x38;
	[tilespmem:$0x10000] =	vst v63  }
0x25: {  	p0 =	sge.u32 s31, s5  }
.Ltmp2:
0x26: {  	_ = 	snop;
	(pc) =	sbr.rel @p0 .LBB1_7-.Ltmp2, $1  }
0x27: {  	_ =	sdelay $0x3  }
0x28: {  	s1 =	sshll.u32 s11, $0x2;
	_ =	swait.ge [sflag:s4], $0x4000;
	s19 =	sshll.u32 s16, $0xE  }
0x29: {  	p0 =	por $0x0, $0x0;
	s25 =	simm.s32 $0x0;
	s26 =	simm.s32 $0x0  }
0x2a: {  	s1 =	sand.u32 $0x10000, s1;
	[sflag:s4] =	ssyncset.done $0x0;
	s22 =	sand.u32 $0x4000, s19  }
0x2b: {  	s1 =	sshrl.u32 s1, $0x2;
	[sflag:s4] =	ssyncadd.s32 $0xFFFFC000;
	s19 =	sor.u32 $0x8000, s22  }
0x2c: {  	s20 =	sor.u32 $0x40, s1;
	s21 =	sor.u32 $0x8410, s1;
	s23 =	sadd.s32 $0x8400, s1  }
.LBB1_3:
0x2d: {  	v1 =	vld [tilespmem:s20+$0xFFFFFFD0]  }
0x2e: {  	v2 =	vld [tilespmem:s20+$0x430]  }
0x2f: {  	s1 =	sshll.u32 s26, $0xB;
	v4 =	vld [tilespmem:s20+$0xFFFFFFE0]  }
0x30: {  	v7 =	vld [tilespmem:s20+$0xFFFFFFF0];
	v0 =	vmov s1  }
0x31: {  	v8 =	vld [tilespmem:s20+$0x0]  }
0x32: {  	v9 =	vld [tilespmem:s20+$0x10];
	s1 =	sand.u32 $0x300, s24  }
0x33: {  	s27 =	sand.u32 $0x80, s24;
	v10 =	vld [tilespmem:s20+$0x20];
	s1 =	sadd.s32 s1, s22  }
0x34: {  	v11 =	vld [tilespmem:s20+$0x30];
	s1 =	sadd.s32 s27, s1;
	s27 =	simm.s32 $0x1;
	[tilespmem:s21+$0x60] =	vst v2  }
0x35: {  	s27 =	simm.s32 @!p0 $0x0;
	[tilespmem:s21+$0xFFFFFC00] =	vst v1;
	v3 =	vld.idx.msk [tilespmem:v0+s1+$0x400 ss:$0x1], $0xffff;
	s1 =	sshll.u32 s25, $0x2  }
0x36: {  	v6 =	vld [tilespmem:s20+$0x3D0];
	s27 =	sshll.u32 s27, $0x9;
	[tilespmem:s21+$0xFFFFFC10] =	vst v4;
	s1 =	sand.u32 $0xFFFFFC00, s1  }
0x37: {  	v5 =	vld [tilespmem:s20+$0x3E0];
	[tilespmem:s21+$0xFFFFFC20] =	vst v7;
	s1 =	sor.u32 s27, s1  }
0x38: {  	[tilespmem:s21+$0xFFFFFC30] =	vst v8;
	v4 =	vld [tilespmem:s20+$0x400];
	s1 =	sshrl.u32 s1, $0x2  }
0x39: {  	[tilespmem:s21+$0xFFFFFC40] =	vst v9;
	v1 =	vld [tilespmem:s20+$0x410];
	s27 =	sadd.s32 s1, s23  }
0x3a: {  	[tilespmem:s27+$0x0] =	vst v3;
	v3 =	vld [tilespmem:s20+$0x3F0]  }
0x3b: {  	s31 =	simm.s32 $0x80;
	s30 =	simm.s32 $0x100;
	[tilespmem:s21+$0xFFFFFC50] =	vst v10;
	v2 =	vld [tilespmem:s20+$0x420]  }
0x3c: {  	s28 =	sadd.s32 $0x80, s20;
	s29 =	smov.u32 s21;
	v7 =	vld [tilespmem:s20+$0xFFFFFFC0];
	[tilespmem:s21+$0xFFFFFC60] =	vst v11;
	s1 =	sand.u32 $0x300, s31  }
.LBB1_4:
0x3d: {  	p1 =	sne.s32 s30, $0x380;
	v8 =	vld [tilespmem:s28+$0xFFFFFFD0];
	s31 =	sand.u32 $0x80, s31;
	s1 =	sadd.s32 s1, s22;
	[tilespmem:s29+$0x0] =	vst v6  }
0x3e: {  	s1 =	sadd.s32 s31, s1;
	v6 =	vld [tilespmem:s28+$0x430];
	[tilespmem:s29+$0x10] =	vst v5;
	s31 =	smov.u32 s30  }
0x3f: {  	v5 =	vld.idx.msk [tilespmem:v0+s1+$0x400 ss:$0x1], $0xffff;
	[tilespmem:s29+$0x20] =	vst v3  }
0x40: {  	v3 =	vld [tilespmem:s28+$0xFFFFFFE0];
	[tilespmem:s29+$0x30] =	vst v4  }
0x41: {  	v4 =	vld [tilespmem:s28+$0xFFFFFFF0];
	[tilespmem:s29+$0xFFFFFBF0] =	vst v7  }
0x42: {  	v7 =	vld [tilespmem:s28+$0x0];
	[tilespmem:s29+$0x40] =	vst v1  }
0x43: {  	v1 =	vld [tilespmem:s28+$0x10];
	[tilespmem:s29+$0x50] =	vst v2;
	s29 =	sadd.s32 $0x800, s29  }
0x44: {  	s27 =	sadd.s32 $0x800, s27;
	v2 =	vld [tilespmem:s28+$0x20];
	[tilespmem:s29+$0x60] =	vst v6  }
0x45: {  	v9 =	vld [tilespmem:s28+$0x30];
	[tilespmem:s27+$0x0] =	vst v5  }
0x46: {  	[tilespmem:s29+$0xFFFFFC00] =	vst v8;
	v6 =	vld [tilespmem:s28+$0x3D0]  }
0x47: {  	[tilespmem:s29+$0xFFFFFC10] =	vst v3;
	v5 =	vld [tilespmem:s28+$0x3E0]  }
.Ltmp3:
0x48: {  	[tilespmem:s29+$0xFFFFFC20] =	vst v4;
	v3 =	vld [tilespmem:s28+$0x3F0];
	(pc) =	sbr.rel @p1 .LBB1_4-.Ltmp3, $4  }
0x49: {  	[tilespmem:s29+$0xFFFFFC30] =	vst v7;
	v4 =	vld [tilespmem:s28+$0x400]  }
0x4a: {  	[tilespmem:s29+$0xFFFFFC40] =	vst v1;
	v1 =	vld [tilespmem:s28+$0x410]  }
0x4b: {  	[tilespmem:s29+$0xFFFFFC50] =	vst v2;
	v2 =	vld [tilespmem:s28+$0x420]  }
0x4c: {  	s30 =	sadd.s32 $0x80, s30;
	s1 =	sand.u32 $0x300, s31;
	v7 =	vld [tilespmem:s28+$0xFFFFFFC0];
	[tilespmem:s29+$0xFFFFFC60] =	vst v9;
	s28 =	sadd.s32 $0x80, s28  }
0x4d: {  	[tilespmem:s29+$0x0] =	vst v6  }
0x4e: {  	[tilespmem:s29+$0x10] =	vst v5  }
0x4f: {  	v49 =	vld [tilespmem:s28+$0x430];
	[tilespmem:s29+$0x20] =	vst v3  }
0x50: {  	v50 =	vld [tilespmem:s28+$0xFFFFFFD0];
	[tilespmem:s29+$0x30] =	vst v4  }
0x51: {  	v51 =	vld [tilespmem:s28+$0xFFFFFFE0];
	[tilespmem:s29+$0x40] =	vst v1  }
0x52: {  	v52 =	vld [tilespmem:s28+$0xFFFFFFF0];
	[tilespmem:s29+$0x50] =	vst v2  }
0x53: {  	s30 =	sand.u32 $0x80, s31;
	s31 =	sadd.s32 $0x800, s29;
	v53 =	vld [tilespmem:s28+$0x0];
	[tilespmem:s29+$0xFFFFFBF0] =	vst v7  }
0x54: {  	v54 =	vld [tilespmem:s28+$0x10];
	[tilespmem:s31+$0x60] =	vst v49  }
0x55: {  	v55 =	vld [tilespmem:s28+$0x20];
	[tilespmem:s31+$0xFFFFFC00] =	vst v50  }
0x56: {  	v56 =	vld [tilespmem:s28+$0x30];
	[tilespmem:s31+$0xFFFFFC10] =	vst v51  }
0x57: {  	v57 =	vld [tilespmem:s28+$0x3D0];
	[tilespmem:s31+$0xFFFFFC20] =	vst v52  }
0x58: {  	v58 =	vld [tilespmem:s28+$0x3E0];
	[tilespmem:s31+$0xFFFFFC30] =	vst v53  }
0x59: {  	v59 =	vld [tilespmem:s28+$0x3F0];
	[tilespmem:s31+$0xFFFFFC40] =	vst v54  }
0x5a: {  	v60 =	vld [tilespmem:s28+$0x400];
	[tilespmem:s31+$0xFFFFFC50] =	vst v55  }
0x5b: {  	v61 =	vld [tilespmem:s28+$0xFFFFFFC0];
	[tilespmem:s31+$0xFFFFFC60] =	vst v56  }
0x5c: {  	s1 =	sadd.s32 s1, s22;
	v62 =	vld [tilespmem:s28+$0x410];
	[tilespmem:s31+$0x0] =	vst v57  }
0x5d: {  	v63 =	vld [tilespmem:s28+$0x420];
	s26 =	sadd.s32 $0x1, s26;
	s1 =	sadd.s32 s30, s1;
	[tilespmem:s31+$0x10] =	vst v58  }
0x5e: {  	p1 =	sne.s32 s26, $0x8;
	v0 =	vld.idx.msk [tilespmem:v0+s1+$0x400 ss:$0x1], $0xffff;
	[tilespmem:s31+$0x20] =	vst v59  }
.Ltmp4:
0x5f: {  	[tilespmem:s31+$0x30] =	vst v60;
	(pc) =	sbr.rel @p1 .LBB1_3-.Ltmp4, $4  }
0x60: {  	[tilespmem:s31+$0xFFFFFBF0] =	vst v61  }
0x61: {  	[tilespmem:s31+$0x40] =	vst v62  }
0x62: {  	s27 =	sadd.s32 $0x800, s27;
	s20 =	sadd.s32 $0x800, s20;
	[tilespmem:s31+$0x50] =	vst v63  }
0x63: {  	s25 =	sadd.s32 $0x80, s25;
	p0 =	por !p0, !p0;
	s21 =	sadd.s32 $0x80, s21;
	[tilespmem:s27+$0x0] =	vst v0  }
0x64: {  	s1 =	sshll.u32 s13, $0xC;
	s18 =	sshll.u32 s18, $0x3  }
0x65: {  	s20 =	sshll.u32 s13, $0x7;
	p0 =	sgt.s32 s13, $0xC0;
	s21 =	smov.u32 s13  }
0x66: {  	s22 =	sshra.s32 s13, $0x1F;
	s30 =	smul.u32 $0x19000, s12;
	s1 =	sand.u32 $0xFFFF8000, s1  }
0x67: {  	s20 =	sand.u32 $0x380, s20;
	s21 =	simm.s32 @!p0 $0xC0;
	s22 =	sand.u32 s22, s13  }
0x68: {  	p0 =	sgt.s32 s12, $0x5;
	s1 =	sor.u32 s1, s18;
	s18 =	sand.u32 $0x800, s18  }
0x69: {  	s21 =	ssub.s32 s21, s22;
	s31 =	sadd.s32 s2, s30;
	s1 =	sshrl.u32 s1, $0xC  }
0x6a: {  	s18 =	sor.u32 s20, s18;
	s20 =	smov.u32 s12;
	s23 =	smulhi.u32 $0x147AE15, s1  }
0x6b: {  	s22 =	sadd.s32 $0xFFFFFF40, s21;
	s21 =	ssub.s32 $0xC8, s21;
	s20 =	simm.s32 @!p0 $0x5  }
0x6c: {  	p0 =	sgt.s32 s22, $0x7;
	s20 =	sshll.u32 s20, $0x8;
	s23 =	smul.u32 $0xC8, s23  }
.Ltmp5:
0x6d: {  	s21 =	simm.s32 @p0 $0x0;
	s20 =	ssub.s32 $0xD00, s20;
	(pc) =	sbr.rel .LBB1_7-.Ltmp5, $4  }
0x6e: {  	s18 =	sshrl.u32 s18, $0x3;
	s20 =	smul.u32 s21, s20;
	s1 =	ssub.s32 s1, s23  }
0x6f: {  	s18 =	sadd.s32 s18, s31;
	s1 =	sshll.u32 s1, $0x9  }
0x70: {  	s20 =	sand.u32 $0x3FFFFF00, s20;
	s1 =	sadd.s32 s1, s18  }
0x71: {  	[hbm4b:s1+s9] =	stream.strided.scatter [tilespmem:s19], [sflag:$0x2], s20, s10, s9, $0x38;
	[tilespmem:$0x10000] =	vst v63  }
.LBB1_8:
0x72: {  	_ =	sfence.sel $0x180000  }
0x73: {  	s1 =	simm.s32 $0x1;
	[bflag:$0x0] =	sbarrier.arrive $0xFFFF  }
0x74: {  	s31 =	simm.s32 $0x2;
	[sflag:s1] =	ssyncpa.u1 $0x1  }
0x75: {  	[sflag:s31] =	ssyncpa.u1 $0x1  }
0x76: {  	_ =	strace $0x90000047  }
0x77: {  	[bflag:$0x2] =	sbarrier.arrive $0xFFFF  }
0x78: {  	p0 =	sne.s32 s0, $0x0;
	s0 =	rddreg [dreg:$0x2]  }
0x79: {  	s0 =	sadd.s32 @!p0 $0x100000, s0  }
0x7a: {  	[sflag:s0] =	ssyncadd.tile.s32 @!p0 $0x1;
	_ =	shalt  }
.Lfunc_end1:
_tile_overlayer_lowered:
.L_overlay_start_2:
0x7b: {  	(tag) =	ssettag $0x2  }
0x7c: {  	s0 =	rddreg [dreg:$0x0];
	s2 =	stileid.u32  }
0x7d: {  	s1 =	rddreg [dreg:$0x1];
	p0 =	sne.s32 s2, $0x0  }
0x7e: {  	s3 =	rddreg [dreg:$0x2];
	[bflag:$0x3] =	sbarrier.arrive $0xFFFF;
	s2 =	simm.s32 @!p0 $0x1C01  }
0x7f: {  	[timem:s3], [sflag:s2] =	dma.local @!p0 [hbm:s0], s1  }
0x80: {  	s0 =	simm.s32 @!p0 $0x1  }
0x81: {  	_ =	swait.ge @!p0 [sflag:s0], s1  }
0x82: {  	s1 =	ssub.s32 @!p0 $0x0, s1;
	[sflag:s0] =	ssyncset.done @!p0 $0x0  }
0x83: {  	[sflag:s0] =	ssyncadd.s32 @!p0 s1  }
0x84: {  	[bflag:$0x3] =	sbarrier.arrive $0xFFFF  }
0x85: {  	_ =	shalt  }

</sc_bundles>
